<compile_context>
chip_gen: v7x
topology: tpu7x:2x2x1
jax: 0.10.2.dev20260603
libtpu: 0.0.44.dev20260713+nightly
codegen_flags: <defaults>
</compile_context>

<pallas_src>
import functools
import math

import jax
import jax.numpy as jnp
from jax import lax
from jax.experimental import pallas as pl
from jax.experimental.pallas import tpu as pltpu
from jax.experimental.pallas import tpu_sc as plsc

NG = 64
DELTA = 20.0 / (NG - 1)
COEFF = -0.5 / (DELTA * DELTA)
C2 = COEFF * math.log2(math.e)
LANES = 16
NW = 32
CHUNK = 400
TPITCH = NG + 1
OPITCH = 2 * NG + 1
NROWS = 100


@functools.lru_cache(maxsize=None)
def _build(E):
    per_w = E // NW
    n_chunks = per_w // CHUNK
    mesh = plsc.VectorSubcoreMesh(
        core_axis_name="c", subcore_axis_name="s", num_cores=2, num_subcores=16
    )

    @functools.partial(
        pl.kernel,
        out_type=jax.ShapeDtypeStruct((E, 2 * NG), jnp.float32),
        mesh=mesh,
        compiler_params=pltpu.CompilerParams(
            use_tc_tiling_on_sc=False, needs_layout_passes=False
        ),
        scratch_types=[
            pltpu.VMEM((per_w,), jnp.float32),
            pltpu.VMEM((per_w,), jnp.int32),
            pltpu.VMEM((NROWS * TPITCH,), jnp.float32),
            pltpu.VMEM((CHUNK, OPITCH), jnp.float32),
        ],
    )
    def sc_kernel(len_hbm, idx_hbm, table_hbm, out_hbm,
                  len_v, idx_v, table_v, out_v):
        wid = lax.axis_index("s") * 2 + lax.axis_index("c")
        lane = lax.iota(jnp.int32, LANES)

        pltpu.sync_copy(len_hbm.at[pl.ds(wid * per_w, per_w)], len_v)
        pltpu.sync_copy(idx_hbm.at[pl.ds(wid * per_w, per_w)], idx_v)
        pltpu.sync_copy(table_hbm, table_v)

        def chunk_body(c, carry):
            base = wid * per_w + c * CHUNK

            def e_body(e, carry2):
                off = c * CHUNK + e * LANES
                d16 = len_v[pl.ds(off, LANES)]
                a16 = idx_v[pl.ds(off, LANES)] * TPITCH
                row = lane + e * LANES
                for g in range(NG):
                    t = d16 - (g * DELTA)
                    v = jnp.exp(COEFF * (t * t))
                    plsc.store_scatter(
                        out_v, [row, jnp.full((LANES,), g, jnp.int32)], v)
                    ev = plsc.load_gather(table_v, [a16 + g])
                    plsc.store_scatter(
                        out_v, [row, jnp.full((LANES,), NG + g, jnp.int32)], ev)
                return carry2

            lax.fori_loop(0, CHUNK // LANES, e_body, 0, unroll=False)
            pltpu.sync_copy(out_v.at[:, pl.ds(0, 2 * NG)],
                            out_hbm.at[pl.ds(base, CHUNK)])
            return carry

        lax.fori_loop(0, n_chunks, chunk_body, 0, unroll=False)

    return sc_kernel


def kernel(edge_length, edge_type, bond_emb_weight):
    E = edge_length.shape[0]
    lengths = edge_length.reshape(E)
    idx = edge_type.astype(jnp.int32)
    table = jnp.concatenate(
        [bond_emb_weight,
         jnp.zeros((bond_emb_weight.shape[0], TPITCH - NG), jnp.float32)],
        axis=1).reshape(-1)
    fn = _build(E)
    return fn(lengths, idx, table)

# --- scband reference (transcript-rebuilt; emitter-appended) ---
"""Pipeline reference for scband-gaussian-smearing-edge-encoder-49417893708206 (READ-ONLY COPY).

The authoritative reference and input builder live on the scoring server;
editing this copy changes nothing except your own understanding.
"""

import jax, jax.numpy as jnp
import numpy as np

NUM_GAUSSIANS = 64
CUTOFF = 10.0
E = 320000
NUM_BOND_TYPES = 100


def setup_inputs(seed: int = 0) -> dict:
    key = jax.random.key(seed)
    k1, k2, k3 = jax.random.split(key, 3)
    edge_length = jax.random.uniform(k1, (E, 1), dtype=jnp.float32) * (CUTOFF * 2)
    edge_type = jax.random.randint(k2, (E,), 0, NUM_BOND_TYPES, dtype=jnp.int64)
    # Embedding(100, num_gaussians) weight, N(0,1) init like torch default
    bond_emb_weight = jax.random.normal(k3, (NUM_BOND_TYPES, NUM_GAUSSIANS), dtype=jnp.float32)
    return {"edge_length": edge_length, "edge_type": edge_type, "bond_emb_weight": bond_emb_weight}


def _gaussian_smearing(dist):
    # GaussianSmearing(start=0.0, stop=cutoff*2, num_gaussians)
    offset = jnp.linspace(0.0, CUTOFF * 2, NUM_GAUSSIANS, dtype=jnp.float32)
    coeff = -0.5 / (offset[1] - offset[0]) ** 2
    d = dist.reshape(-1, 1) - offset.reshape(1, -1)
    return jnp.exp(coeff * jnp.square(d))


def reference(edge_length, edge_type, bond_emb_weight):
    rbf = _gaussian_smearing(edge_length)                      # (E, num_gaussians)
    emb = jnp.take(bond_emb_weight, edge_type, axis=0)         # (E, num_gaussians)
    edge_attr = jnp.concatenate([rbf, emb], axis=1)            # (E, 2*num_gaussians)
    return edge_attr

if __name__ == "__main__":
    import jax
    _d = setup_inputs()
    print(jax.jit(kernel)(*tuple(_d.values())))

</pallas_src>

<mosaic_0001>
#map = affine_map<(d0, d1) -> (0)>
#map1 = affine_map<(d0, d1) -> (0, 0)>
module attributes {stable_mosaic.version = 14 : i64} {
  func.func @sc_kernel(%arg0: i32, %arg1: i32, %arg2: memref<320000xf32, #tpu.memory_space<hbm>>, %arg3: memref<320000xi32, #tpu.memory_space<hbm>>, %arg4: memref<6500xf32, #tpu.memory_space<hbm>>, %arg5: memref<320000x128xf32, #tpu.memory_space<hbm>>, %arg6: memref<10000xf32, #tpu.memory_space<vmem>>, %arg7: memref<10000xi32, #tpu.memory_space<vmem>>, %arg8: memref<6500xf32, #tpu.memory_space<vmem>>, %arg9: memref<400x129xf32, #tpu.memory_space<vmem>>) attributes {dimension_semantics = [#tpu.dimension_semantics<core_parallel>, #tpu.dimension_semantics<subcore_parallel>], iteration_bounds = array<i64: 2, 16>, scalar_prefetch = 0 : i64, scratch_operands = 4 : i64, tpu.core_type = #tpu.core_type<sc_vector_subcore>, window_params = [{transform_indices = #map}, {transform_indices = #map}, {transform_indices = #map}, {transform_indices = #map1}]} {
    %mul3A = arith.constant 2 : i32
    %mul3A_0 = arith.muli %arg1, %mul3A : i32
    %add3A = arith.addi %mul3A_0, %arg0 : i32
    %iota3A = tpu.iota {dimensions = array<i32: 0>} : vector<16xi32>
    %mul3A_1 = arith.constant 10000 : i32
    %mul3A_2 = arith.muli %add3A, %mul3A_1 : i32
    "tpu.region"() ({
      %run_scoped3A = tpu.sem_alloc : memref<!tpu.dma_semaphore, #tpu.memory_space<semaphore_mem>>
      %dma_start3A = tpu.memref_slice %arg2[%mul3A_2] : memref<320000xf32, #tpu.memory_space<hbm>> -> memref<10000xf32, #tpu.memory_space<hbm>>
      %dma_start3A_10 = tpu.memref_slice %arg2[%mul3A_2] : memref<320000xf32, #tpu.memory_space<hbm>> -> memref<10000xf32, #tpu.memory_space<hbm>>
      tpu.enqueue_dma source(%dma_start3A_10 : memref<10000xf32, #tpu.memory_space<hbm>>) target(%arg6 : memref<10000xf32, #tpu.memory_space<vmem>>) target_semaphore(%run_scoped3A : memref<!tpu.dma_semaphore, #tpu.memory_space<semaphore_mem>>)
      %dma_wait3A = tpu.memref_slice %arg2[%mul3A_2] : memref<320000xf32, #tpu.memory_space<hbm>> -> memref<10000xf32, #tpu.memory_space<hbm>>
      %dma_wait3A_11 = tpu.memref_slice %arg2[%mul3A_2] : memref<320000xf32, #tpu.memory_space<hbm>> -> memref<10000xf32, #tpu.memory_space<hbm>>
      tpu.wait_dma2 semaphore(%run_scoped3A : memref<!tpu.dma_semaphore, #tpu.memory_space<semaphore_mem>>) src(%dma_wait3A_11 : memref<10000xf32, #tpu.memory_space<hbm>>) dst(%arg6 : memref<10000xf32, #tpu.memory_space<vmem>>)
      tpu.yield
    }) : () -> ()
    %mul3A_3 = arith.constant 10000 : i32
    %mul3A_4 = arith.muli %add3A, %mul3A_3 : i32
    "tpu.region"() ({
      %run_scoped3A = tpu.sem_alloc : memref<!tpu.dma_semaphore, #tpu.memory_space<semaphore_mem>>
      %dma_start3A = tpu.memref_slice %arg3[%mul3A_4] : memref<320000xi32, #tpu.memory_space<hbm>> -> memref<10000xi32, #tpu.memory_space<hbm>>
      %dma_start3A_10 = tpu.memref_slice %arg3[%mul3A_4] : memref<320000xi32, #tpu.memory_space<hbm>> -> memref<10000xi32, #tpu.memory_space<hbm>>
      tpu.enqueue_dma source(%dma_start3A_10 : memref<10000xi32, #tpu.memory_space<hbm>>) target(%arg7 : memref<10000xi32, #tpu.memory_space<vmem>>) target_semaphore(%run_scoped3A : memref<!tpu.dma_semaphore, #tpu.memory_space<semaphore_mem>>)
      %dma_wait3A = tpu.memref_slice %arg3[%mul3A_4] : memref<320000xi32, #tpu.memory_space<hbm>> -> memref<10000xi32, #tpu.memory_space<hbm>>
      %dma_wait3A_11 = tpu.memref_slice %arg3[%mul3A_4] : memref<320000xi32, #tpu.memory_space<hbm>> -> memref<10000xi32, #tpu.memory_space<hbm>>
      tpu.wait_dma2 semaphore(%run_scoped3A : memref<!tpu.dma_semaphore, #tpu.memory_space<semaphore_mem>>) src(%dma_wait3A_11 : memref<10000xi32, #tpu.memory_space<hbm>>) dst(%arg7 : memref<10000xi32, #tpu.memory_space<vmem>>)
      tpu.yield
    }) : () -> ()
    "tpu.region"() ({
      %run_scoped3A = tpu.sem_alloc : memref<!tpu.dma_semaphore, #tpu.memory_space<semaphore_mem>>
      tpu.enqueue_dma source(%arg4 : memref<6500xf32, #tpu.memory_space<hbm>>) target(%arg8 : memref<6500xf32, #tpu.memory_space<vmem>>) target_semaphore(%run_scoped3A : memref<!tpu.dma_semaphore, #tpu.memory_space<semaphore_mem>>)
      tpu.wait_dma2 semaphore(%run_scoped3A : memref<!tpu.dma_semaphore, #tpu.memory_space<semaphore_mem>>) src(%arg4 : memref<6500xf32, #tpu.memory_space<hbm>>) dst(%arg8 : memref<6500xf32, #tpu.memory_space<vmem>>)
      tpu.yield
    }) : () -> ()
    %scan3A = arith.constant 0 : i32
    %scan3A_5 = arith.constant 0 : i32
    %scan3A_6 = arith.constant 25 : i32
    %scan3A_7 = arith.addi %scan3A_5, %scan3A_6 : i32
    %scan3A_8 = arith.constant 1 : i32
    scf.for %scan3A_10 = %scan3A_5 to %scan3A_7 step %scan3A_8  : i32 {
      %mul3A_11 = arith.constant 10000 : i32
      %mul3A_12 = arith.muli %add3A, %mul3A_11 : i32
      %mul3A_13 = arith.constant 400 : i32
      %mul3A_14 = arith.muli %scan3A_10, %mul3A_13 : i32
      %add3A_15 = arith.addi %mul3A_12, %mul3A_14 : i32
      %scan3A_16 = arith.constant 0 : i32
      %scan3A_17 = arith.constant 0 : i32
      %scan3A_18 = arith.constant 25 : i32
      %scan3A_19 = arith.addi %scan3A_17, %scan3A_18 : i32
      %scan3A_20 = arith.constant 1 : i32
      scf.for %scan3A_22 = %scan3A_17 to %scan3A_19 step %scan3A_20  : i32 {
        %mul3A_23 = arith.constant 400 : i32
        %mul3A_24 = arith.muli %scan3A_10, %mul3A_23 : i32
        %mul3A_25 = arith.constant 16 : i32
        %mul3A_26 = arith.muli %scan3A_22, %mul3A_25 : i32
        %add3A_27 = arith.addi %mul3A_24, %mul3A_26 : i32
        %get3A = arith.index_cast %add3A_27 : i32 to index
        %get3A_28 = tpu.vector_load %arg6[%get3A] {strides = array<i32>} : memref<10000xf32, #tpu.memory_space<vmem>>, vector<16xf32>,
        %get3A_29 = arith.index_cast %add3A_27 : i32 to index
        %get3A_30 = tpu.vector_load %arg7[%get3A_29] {strides = array<i32>} : memref<10000xi32, #tpu.memory_space<vmem>>, vector<16xi32>,
        %mul3A_31 = arith.constant 65 : i32
        %mul3A_32 = vector.broadcast %mul3A_31 : i32 to vector<16xi32>
        %mul3A_33 = arith.muli %get3A_30, %mul3A_32 : vector<16xi32>
        %mul3A_34 = arith.constant 16 : i32
        %mul3A_35 = arith.muli %scan3A_22, %mul3A_34 : i32
        %add3A_36 = vector.broadcast %mul3A_35 : i32 to vector<16xi32>
        %add3A_37 = arith.addi %iota3A, %add3A_36 : vector<16xi32>
        %sub3A = arith.constant 0.000000e+00 : f32
        %sub3A_38 = vector.broadcast %sub3A : f32 to vector<16xf32>
        %sub3A_39 = arith.subf %get3A_28, %sub3A_38 : vector<16xf32>
        %mul3A_40 = arith.mulf %sub3A_39, %sub3A_39 : vector<16xf32>
        %mul3A_41 = arith.constant -4.961250e+00 : f32
        %mul3A_42 = vector.broadcast %mul3A_41 : f32 to vector<16xf32>
        %mul3A_43 = arith.mulf %mul3A_42, %mul3A_40 : vector<16xf32>
        %exp3A = math.exp %mul3A_43 : vector<16xf32>
        %broadcast_in_dim3A = arith.constant 0 : i32
        %broadcast_in_dim3A_44 = vector.broadcast %broadcast_in_dim3A : i32 to vector<16xi32>
        tpu.vector_store_idx %arg9[%add3A_37, %broadcast_in_dim3A_44], %exp3A : memref<400x129xf32, #tpu.memory_space<vmem>>[vector<16xi32>, vector<16xi32>], vector<16xf32>,
        %add3A_45 = arith.constant 0 : i32
        %add3A_46 = vector.broadcast %add3A_45 : i32 to vector<16xi32>
        %add3A_47 = arith.addi %mul3A_33, %add3A_46 : vector<16xi32>
        %gather3A = tpu.vector_load_idx %arg8[%add3A_47] : memref<6500xf32, #tpu.memory_space<vmem>>[vector<16xi32>], vector<16xf32>,
        %broadcast_in_dim3A_48 = arith.constant 64 : i32
        %broadcast_in_dim3A_49 = vector.broadcast %broadcast_in_dim3A_48 : i32 to vector<16xi32>
        tpu.vector_store_idx %arg9[%add3A_37, %broadcast_in_dim3A_49], %gather3A : memref<400x129xf32, #tpu.memory_space<vmem>>[vector<16xi32>, vector<16xi32>], vector<16xf32>,
        %sub3A_50 = arith.constant 0.317460328 : f32
        %sub3A_51 = vector.broadcast %sub3A_50 : f32 to vector<16xf32>
        %sub3A_52 = arith.subf %get3A_28, %sub3A_51 : vector<16xf32>
        %mul3A_53 = arith.mulf %sub3A_52, %sub3A_52 : vector<16xf32>
        %mul3A_54 = arith.constant -4.961250e+00 : f32
        %mul3A_55 = vector.broadcast %mul3A_54 : f32 to vector<16xf32>
        %mul3A_56 = arith.mulf %mul3A_55, %mul3A_53 : vector<16xf32>
        %exp3A_57 = math.exp %mul3A_56 : vector<16xf32>
        %broadcast_in_dim3A_58 = arith.constant 1 : i32
        %broadcast_in_dim3A_59 = vector.broadcast %broadcast_in_dim3A_58 : i32 to vector<16xi32>
        tpu.vector_store_idx %arg9[%add3A_37, %broadcast_in_dim3A_59], %exp3A_57 : memref<400x129xf32, #tpu.memory_space<vmem>>[vector<16xi32>, vector<16xi32>], vector<16xf32>,
        %add3A_60 = arith.constant 1 : i32
        %add3A_61 = vector.broadcast %add3A_60 : i32 to vector<16xi32>
        %add3A_62 = arith.addi %mul3A_33, %add3A_61 : vector<16xi32>
        %gather3A_63 = tpu.vector_load_idx %arg8[%add3A_62] : memref<6500xf32, #tpu.memory_space<vmem>>[vector<16xi32>], vector<16xf32>,
        %broadcast_in_dim3A_64 = arith.constant 65 : i32
        %broadcast_in_dim3A_65 = vector.broadcast %broadcast_in_dim3A_64 : i32 to vector<16xi32>
        tpu.vector_store_idx %arg9[%add3A_37, %broadcast_in_dim3A_65], %gather3A_63 : memref<400x129xf32, #tpu.memory_space<vmem>>[vector<16xi32>, vector<16xi32>], vector<16xf32>,
        %sub3A_66 = arith.constant 0.634920656 : f32
        %sub3A_67 = vector.broadcast %sub3A_66 : f32 to vector<16xf32>
        %sub3A_68 = arith.subf %get3A_28, %sub3A_67 : vector<16xf32>
        %mul3A_69 = arith.mulf %sub3A_68, %sub3A_68 : vector<16xf32>
        %mul3A_70 = arith.constant -4.961250e+00 : f32
        %mul3A_71 = vector.broadcast %mul3A_70 : f32 to vector<16xf32>
        %mul3A_72 = arith.mulf %mul3A_71, %mul3A_69 : vector<16xf32>
        %exp3A_73 = math.exp %mul3A_72 : vector<16xf32>
        %broadcast_in_dim3A_74 = arith.constant 2 : i32
        %broadcast_in_dim3A_75 = vector.broadcast %broadcast_in_dim3A_74 : i32 to vector<16xi32>
        tpu.vector_store_idx %arg9[%add3A_37, %broadcast_in_dim3A_75], %exp3A_73 : memref<400x129xf32, #tpu.memory_space<vmem>>[vector<16xi32>, vector<16xi32>], vector<16xf32>,
        %add3A_76 = arith.constant 2 : i32
        %add3A_77 = vector.broadcast %add3A_76 : i32 to vector<16xi32>
        %add3A_78 = arith.addi %mul3A_33, %add3A_77 : vector<16xi32>
        %gather3A_79 = tpu.vector_load_idx %arg8[%add3A_78] : memref<6500xf32, #tpu.memory_space<vmem>>[vector<16xi32>], vector<16xf32>,
        %broadcast_in_dim3A_80 = arith.constant 66 : i32
        %broadcast_in_dim3A_81 = vector.broadcast %broadcast_in_dim3A_80 : i32 to vector<16xi32>
        tpu.vector_store_idx %arg9[%add3A_37, %broadcast_in_dim3A_81], %gather3A_79 : memref<400x129xf32, #tpu.memory_space<vmem>>[vector<16xi32>, vector<16xi32>], vector<16xf32>,
        %sub3A_82 = arith.constant 0.952380955 : f32
        %sub3A_83 = vector.broadcast %sub3A_82 : f32 to vector<16xf32>
        %sub3A_84 = arith.subf %get3A_28, %sub3A_83 : vector<16xf32>
        %mul3A_85 = arith.mulf %sub3A_84, %sub3A_84 : vector<16xf32>
        %mul3A_86 = arith.constant -4.961250e+00 : f32
        %mul3A_87 = vector.broadcast %mul3A_86 : f32 to vector<16xf32>
        %mul3A_88 = arith.mulf %mul3A_87, %mul3A_85 : vector<16xf32>
        %exp3A_89 = math.exp %mul3A_88 : vector<16xf32>
        %broadcast_in_dim3A_90 = arith.constant 3 : i32
        %broadcast_in_dim3A_91 = vector.broadcast %broadcast_in_dim3A_90 : i32 to vector<16xi32>
        tpu.vector_store_idx %arg9[%add3A_37, %broadcast_in_dim3A_91], %exp3A_89 : memref<400x129xf32, #tpu.memory_space<vmem>>[vector<16xi32>, vector<16xi32>], vector<16xf32>,
        %add3A_92 = arith.constant 3 : i32
        %add3A_93 = vector.broadcast %add3A_92 : i32 to vector<16xi32>
        %add3A_94 = arith.addi %mul3A_33, %add3A_93 : vector<16xi32>
        %gather3A_95 = tpu.vector_load_idx %arg8[%add3A_94] : memref<6500xf32, #tpu.memory_space<vmem>>[vector<16xi32>], vector<16xf32>,
        %broadcast_in_dim3A_96 = arith.constant 67 : i32
        %broadcast_in_dim3A_97 = vector.broadcast %broadcast_in_dim3A_96 : i32 to vector<16xi32>
        tpu.vector_store_idx %arg9[%add3A_37, %broadcast_in_dim3A_97], %gather3A_95 : memref<400x129xf32, #tpu.memory_space<vmem>>[vector<16xi32>, vector<16xi32>], vector<16xf32>,
        %sub3A_98 = arith.constant 1.26984131 : f32
        %sub3A_99 = vector.broadcast %sub3A_98 : f32 to vector<16xf32>
        %sub3A_100 = arith.subf %get3A_28, %sub3A_99 : vector<16xf32>
        %mul3A_101 = arith.mulf %sub3A_100, %sub3A_100 : vector<16xf32>
        %mul3A_102 = arith.constant -4.961250e+00 : f32
        %mul3A_103 = vector.broadcast %mul3A_102 : f32 to vector<16xf32>
        %mul3A_104 = arith.mulf %mul3A_103, %mul3A_101 : vector<16xf32>
        %exp3A_105 = math.exp %mul3A_104 : vector<16xf32>
        %broadcast_in_dim3A_106 = arith.constant 4 : i32
        %broadcast_in_dim3A_107 = vector.broadcast %broadcast_in_dim3A_106 : i32 to vector<16xi32>
        tpu.vector_store_idx %arg9[%add3A_37, %broadcast_in_dim3A_107], %exp3A_105 : memref<400x129xf32, #tpu.memory_space<vmem>>[vector<16xi32>, vector<16xi32>], vector<16xf32>,
        %add3A_108 = arith.constant 4 : i32
        %add3A_109 = vector.broadcast %add3A_108 : i32 to vector<16xi32>
        %add3A_110 = arith.addi %mul3A_33, %add3A_109 : vector<16xi32>
        %gather3A_111 = tpu.vector_load_idx %arg8[%add3A_110] : memref<6500xf32, #tpu.memory_space<vmem>>[vector<16xi32>], vector<16xf32>,
        %broadcast_in_dim3A_112 = arith.constant 68 : i32
        %broadcast_in_dim3A_113 = vector.broadcast %broadcast_in_dim3A_112 : i32 to vector<16xi32>
        tpu.vector_store_idx %arg9[%add3A_37, %broadcast_in_dim3A_113], %gather3A_111 : memref<400x129xf32, #tpu.memory_space<vmem>>[vector<16xi32>, vector<16xi32>], vector<16xf32>,
        %sub3A_114 = arith.constant 1.58730161 : f32
        %sub3A_115 = vector.broadcast %sub3A_114 : f32 to vector<16xf32>
        %sub3A_116 = arith.subf %get3A_28, %sub3A_115 : vector<16xf32>
        %mul3A_117 = arith.mulf %sub3A_116, %sub3A_116 : vector<16xf32>
        %mul3A_118 = arith.constant -4.961250e+00 : f32
        %mul3A_119 = vector.broadcast %mul3A_118 : f32 to vector<16xf32>
        %mul3A_120 = arith.mulf %mul3A_119, %mul3A_117 : vector<16xf32>
        %exp3A_121 = math.exp %mul3A_120 : vector<16xf32>
        %broadcast_in_dim3A_122 = arith.constant 5 : i32
        %broadcast_in_dim3A_123 = vector.broadcast %broadcast_in_dim3A_122 : i32 to vector<16xi32>
        tpu.vector_store_idx %arg9[%add3A_37, %broadcast_in_dim3A_123], %exp3A_121 : memref<400x129xf32, #tpu.memory_space<vmem>>[vector<16xi32>, vector<16xi32>], vector<16xf32>,
        %add3A_124 = arith.constant 5 : i32
        %add3A_125 = vector.broadcast %add3A_124 : i32 to vector<16xi32>
        %add3A_126 = arith.addi %mul3A_33, %add3A_125 : vector<16xi32>
        %gather3A_127 = tpu.vector_load_idx %arg8[%add3A_126] : memref<6500xf32, #tpu.memory_space<vmem>>[vector<16xi32>], vector<16xf32>,
        %broadcast_in_dim3A_128 = arith.constant 69 : i32
        %broadcast_in_dim3A_129 = vector.broadcast %broadcast_in_dim3A_128 : i32 to vector<16xi32>
        tpu.vector_store_idx %arg9[%add3A_37, %broadcast_in_dim3A_129], %gather3A_127 : memref<400x129xf32, #tpu.memory_space<vmem>>[vector<16xi32>, vector<16xi32>], vector<16xf32>,
        %sub3A_130 = arith.constant 1.90476191 : f32
        %sub3A_131 = vector.broadcast %sub3A_130 : f32 to vector<16xf32>
        %sub3A_132 = arith.subf %get3A_28, %sub3A_131 : vector<16xf32>
        %mul3A_133 = arith.mulf %sub3A_132, %sub3A_132 : vector<16xf32>
        %mul3A_134 = arith.constant -4.961250e+00 : f32
        %mul3A_135 = vector.broadcast %mul3A_134 : f32 to vector<16xf32>
        %mul3A_136 = arith.mulf %mul3A_135, %mul3A_133 : vector<16xf32>
        %exp3A_137 = math.exp %mul3A_136 : vector<16xf32>
        %broadcast_in_dim3A_138 = arith.constant 6 : i32
        %broadcast_in_dim3A_139 = vector.broadcast %broadcast_in_dim3A_138 : i32 to vector<16xi32>
        tpu.vector_store_idx %arg9[%add3A_37, %broadcast_in_dim3A_139], %exp3A_137 : memref<400x129xf32, #tpu.memory_space<vmem>>[vector<16xi32>, vector<16xi32>], vector<16xf32>,
        %add3A_140 = arith.constant 6 : i32
        %add3A_141 = vector.broadcast %add3A_140 : i32 to vector<16xi32>
        %add3A_142 = arith.addi %mul3A_33, %add3A_141 : vector<16xi32>
        %gather3A_143 = tpu.vector_load_idx %arg8[%add3A_142] : memref<6500xf32, #tpu.memory_space<vmem>>[vector<16xi32>], vector<16xf32>,
        %broadcast_in_dim3A_144 = arith.constant 70 : i32
        %broadcast_in_dim3A_145 = vector.broadcast %broadcast_in_dim3A_144 : i32 to vector<16xi32>
        tpu.vector_store_idx %arg9[%add3A_37, %broadcast_in_dim3A_145], %gather3A_143 : memref<400x129xf32, #tpu.memory_space<vmem>>[vector<16xi32>, vector<16xi32>], vector<16xf32>,
        %sub3A_146 = arith.constant 2.22222233 : f32
        %sub3A_147 = vector.broadcast %sub3A_146 : f32 to vector<16xf32>
        %sub3A_148 = arith.subf %get3A_28, %sub3A_147 : vector<16xf32>
        %mul3A_149 = arith.mulf %sub3A_148, %sub3A_148 : vector<16xf32>
        %mul3A_150 = arith.constant -4.961250e+00 : f32
        %mul3A_151 = vector.broadcast %mul3A_150 : f32 to vector<16xf32>
        %mul3A_152 = arith.mulf %mul3A_151, %mul3A_149 : vector<16xf32>
        %exp3A_153 = math.exp %mul3A_152 : vector<16xf32>
        %broadcast_in_dim3A_154 = arith.constant 7 : i32
        %broadcast_in_dim3A_155 = vector.broadcast %broadcast_in_dim3A_154 : i32 to vector<16xi32>
        tpu.vector_store_idx %arg9[%add3A_37, %broadcast_in_dim3A_155], %exp3A_153 : memref<400x129xf32, #tpu.memory_space<vmem>>[vector<16xi32>, vector<16xi32>], vector<16xf32>,
        %add3A_156 = arith.constant 7 : i32
        %add3A_157 = vector.broadcast %add3A_156 : i32 to vector<16xi32>
        %add3A_158 = arith.addi %mul3A_33, %add3A_157 : vector<16xi32>
        %gather3A_159 = tpu.vector_load_idx %arg8[%add3A_158] : memref<6500xf32, #tpu.memory_space<vmem>>[vector<16xi32>], vector<16xf32>,
        %broadcast_in_dim3A_160 = arith.constant 71 : i32
        %broadcast_in_dim3A_161 = vector.broadcast %broadcast_in_dim3A_160 : i32 to vector<16xi32>
        tpu.vector_store_idx %arg9[%add3A_37, %broadcast_in_dim3A_161], %gather3A_159 : memref<400x129xf32, #tpu.memory_space<vmem>>[vector<16xi32>, vector<16xi32>], vector<16xf32>,
        %sub3A_162 = arith.constant 2.53968263 : f32
        %sub3A_163 = vector.broadcast %sub3A_162 : f32 to vector<16xf32>
        %sub3A_164 = arith.subf %get3A_28, %sub3A_163 : vector<16xf32>
        %mul3A_165 = arith.mulf %sub3A_164, %sub3A_164 : vector<16xf32>
        %mul3A_166 = arith.constant -4.961250e+00 : f32
        %mul3A_167 = vector.broadcast %mul3A_166 : f32 to vector<16xf32>
        %mul3A_168 = arith.mulf %mul3A_167, %mul3A_165 : vector<16xf32>
        %exp3A_169 = math.exp %mul3A_168 : vector<16xf32>
        %broadcast_in_dim3A_170 = arith.constant 8 : i32
        %broadcast_in_dim3A_171 = vector.broadcast %broadcast_in_dim3A_170 : i32 to vector<16xi32>
        tpu.vector_store_idx %arg9[%add3A_37, %broadcast_in_dim3A_171], %exp3A_169 : memref<400x129xf32, #tpu.memory_space<vmem>>[vector<16xi32>, vector<16xi32>], vector<16xf32>,
        %add3A_172 = arith.constant 8 : i32
        %add3A_173 = vector.broadcast %add3A_172 : i32 to vector<16xi32>
        %add3A_174 = arith.addi %mul3A_33, %add3A_173 : vector<16xi32>
        %gather3A_175 = tpu.vector_load_idx %arg8[%add3A_174] : memref<6500xf32, #tpu.memory_space<vmem>>[vector<16xi32>], vector<16xf32>,
        %broadcast_in_dim3A_176 = arith.constant 72 : i32
        %broadcast_in_dim3A_177 = vector.broadcast %broadcast_in_dim3A_176 : i32 to vector<16xi32>
        tpu.vector_store_idx %arg9[%add3A_37, %broadcast_in_dim3A_177], %gather3A_175 : memref<400x129xf32, #tpu.memory_space<vmem>>[vector<16xi32>, vector<16xi32>], vector<16xf32>,
        %sub3A_178 = arith.constant 2.85714293 : f32
        %sub3A_179 = vector.broadcast %sub3A_178 : f32 to vector<16xf32>
        %sub3A_180 = arith.subf %get3A_28, %sub3A_179 : vector<16xf32>
        %mul3A_181 = arith.mulf %sub3A_180, %sub3A_180 : vector<16xf32>
        %mul3A_182 = arith.constant -4.961250e+00 : f32
        %mul3A_183 = vector.broadcast %mul3A_182 : f32 to vector<16xf32>
        %mul3A_184 = arith.mulf %mul3A_183, %mul3A_181 : vector<16xf32>
        %exp3A_185 = math.exp %mul3A_184 : vector<16xf32>
        %broadcast_in_dim3A_186 = arith.constant 9 : i32
        %broadcast_in_dim3A_187 = vector.broadcast %broadcast_in_dim3A_186 : i32 to vector<16xi32>
        tpu.vector_store_idx %arg9[%add3A_37, %broadcast_in_dim3A_187], %exp3A_185 : memref<400x129xf32, #tpu.memory_space<vmem>>[vector<16xi32>, vector<16xi32>], vector<16xf32>,
        %add3A_188 = arith.constant 9 : i32
        %add3A_189 = vector.broadcast %add3A_188 : i32 to vector<16xi32>
        %add3A_190 = arith.addi %mul3A_33, %add3A_189 : vector<16xi32>
        %gather3A_191 = tpu.vector_load_idx %arg8[%add3A_190] : memref<6500xf32, #tpu.memory_space<vmem>>[vector<16xi32>], vector<16xf32>,
        %broadcast_in_dim3A_192 = arith.constant 73 : i32
        %broadcast_in_dim3A_193 = vector.broadcast %broadcast_in_dim3A_192 : i32 to vector<16xi32>
        tpu.vector_store_idx %arg9[%add3A_37, %broadcast_in_dim3A_193], %gather3A_191 : memref<400x129xf32, #tpu.memory_space<vmem>>[vector<16xi32>, vector<16xi32>], vector<16xf32>,
        %sub3A_194 = arith.constant 3.17460322 : f32
        %sub3A_195 = vector.broadcast %sub3A_194 : f32 to vector<16xf32>
        %sub3A_196 = arith.subf %get3A_28, %sub3A_195 : vector<16xf32>
        %mul3A_197 = arith.mulf %sub3A_196, %sub3A_196 : vector<16xf32>
        %mul3A_198 = arith.constant -4.961250e+00 : f32
        %mul3A_199 = vector.broadcast %mul3A_198 : f32 to vector<16xf32>
        %mul3A_200 = arith.mulf %mul3A_199, %mul3A_197 : vector<16xf32>
        %exp3A_201 = math.exp %mul3A_200 : vector<16xf32>
        %broadcast_in_dim3A_202 = arith.constant 10 : i32
        %broadcast_in_dim3A_203 = vector.broadcast %broadcast_in_dim3A_202 : i32 to vector<16xi32>
        tpu.vector_store_idx %arg9[%add3A_37, %broadcast_in_dim3A_203], %exp3A_201 : memref<400x129xf32, #tpu.memory_space<vmem>>[vector<16xi32>, vector<16xi32>], vector<16xf32>,
        %add3A_204 = arith.constant 10 : i32
        %add3A_205 = vector.broadcast %add3A_204 : i32 to vector<16xi32>
        %add3A_206 = arith.addi %mul3A_33, %add3A_205 : vector<16xi32>
        %gather3A_207 = tpu.vector_load_idx %arg8[%add3A_206] : memref<6500xf32, #tpu.memory_space<vmem>>[vector<16xi32>], vector<16xf32>,
        %broadcast_in_dim3A_208 = arith.constant 74 : i32
        %broadcast_in_dim3A_209 = vector.broadcast %broadcast_in_dim3A_208 : i32 to vector<16xi32>
        tpu.vector_store_idx %arg9[%add3A_37, %broadcast_in_dim3A_209], %gather3A_207 : memref<400x129xf32, #tpu.memory_space<vmem>>[vector<16xi32>, vector<16xi32>], vector<16xf32>,
        %sub3A_210 = arith.constant 3.49206352 : f32
        %sub3A_211 = vector.broadcast %sub3A_210 : f32 to vector<16xf32>
        %sub3A_212 = arith.subf %get3A_28, %sub3A_211 : vector<16xf32>
        %mul3A_213 = arith.mulf %sub3A_212, %sub3A_212 : vector<16xf32>
        %mul3A_214 = arith.constant -4.961250e+00 : f32
        %mul3A_215 = vector.broadcast %mul3A_214 : f32 to vector<16xf32>
        %mul3A_216 = arith.mulf %mul3A_215, %mul3A_213 : vector<16xf32>
        %exp3A_217 = math.exp %mul3A_216 : vector<16xf32>
        %broadcast_in_dim3A_218 = arith.constant 11 : i32
        %broadcast_in_dim3A_219 = vector.broadcast %broadcast_in_dim3A_218 : i32 to vector<16xi32>
        tpu.vector_store_idx %arg9[%add3A_37, %broadcast_in_dim3A_219], %exp3A_217 : memref<400x129xf32, #tpu.memory_space<vmem>>[vector<16xi32>, vector<16xi32>], vector<16xf32>,
        %add3A_220 = arith.constant 11 : i32
        %add3A_221 = vector.broadcast %add3A_220 : i32 to vector<16xi32>
        %add3A_222 = arith.addi %mul3A_33, %add3A_221 : vector<16xi32>
        %gather3A_223 = tpu.vector_load_idx %arg8[%add3A_222] : memref<6500xf32, #tpu.memory_space<vmem>>[vector<16xi32>], vector<16xf32>,
        %broadcast_in_dim3A_224 = arith.constant 75 : i32
        %broadcast_in_dim3A_225 = vector.broadcast %broadcast_in_dim3A_224 : i32 to vector<16xi32>
        tpu.vector_store_idx %arg9[%add3A_37, %broadcast_in_dim3A_225], %gather3A_223 : memref<400x129xf32, #tpu.memory_space<vmem>>[vector<16xi32>, vector<16xi32>], vector<16xf32>,
        %sub3A_226 = arith.constant 3.80952382 : f32
        %sub3A_227 = vector.broadcast %sub3A_226 : f32 to vector<16xf32>
        %sub3A_228 = arith.subf %get3A_28, %sub3A_227 : vector<16xf32>
        %mul3A_229 = arith.mulf %sub3A_228, %sub3A_228 : vector<16xf32>
        %mul3A_230 = arith.constant -4.961250e+00 : f32
        %mul3A_231 = vector.broadcast %mul3A_230 : f32 to vector<16xf32>
        %mul3A_232 = arith.mulf %mul3A_231, %mul3A_229 : vector<16xf32>
        %exp3A_233 = math.exp %mul3A_232 : vector<16xf32>
        %broadcast_in_dim3A_234 = arith.constant 12 : i32
        %broadcast_in_dim3A_235 = vector.broadcast %broadcast_in_dim3A_234 : i32 to vector<16xi32>
        tpu.vector_store_idx %arg9[%add3A_37, %broadcast_in_dim3A_235], %exp3A_233 : memref<400x129xf32, #tpu.memory_space<vmem>>[vector<16xi32>, vector<16xi32>], vector<16xf32>,
        %add3A_236 = arith.constant 12 : i32
        %add3A_237 = vector.broadcast %add3A_236 : i32 to vector<16xi32>
        %add3A_238 = arith.addi %mul3A_33, %add3A_237 : vector<16xi32>
        %gather3A_239 = tpu.vector_load_idx %arg8[%add3A_238] : memref<6500xf32, #tpu.memory_space<vmem>>[vector<16xi32>], vector<16xf32>,
        %broadcast_in_dim3A_240 = arith.constant 76 : i32
        %broadcast_in_dim3A_241 = vector.broadcast %broadcast_in_dim3A_240 : i32 to vector<16xi32>
        tpu.vector_store_idx %arg9[%add3A_37, %broadcast_in_dim3A_241], %gather3A_239 : memref<400x129xf32, #tpu.memory_space<vmem>>[vector<16xi32>, vector<16xi32>], vector<16xf32>,
        %sub3A_242 = arith.constant 4.12698412 : f32
        %sub3A_243 = vector.broadcast %sub3A_242 : f32 to vector<16xf32>
        %sub3A_244 = arith.subf %get3A_28, %sub3A_243 : vector<16xf32>
        %mul3A_245 = arith.mulf %sub3A_244, %sub3A_244 : vector<16xf32>
        %mul3A_246 = arith.constant -4.961250e+00 : f32
        %mul3A_247 = vector.broadcast %mul3A_246 : f32 to vector<16xf32>
        %mul3A_248 = arith.mulf %mul3A_247, %mul3A_245 : vector<16xf32>
        %exp3A_249 = math.exp %mul3A_248 : vector<16xf32>
        %broadcast_in_dim3A_250 = arith.constant 13 : i32
        %broadcast_in_dim3A_251 = vector.broadcast %broadcast_in_dim3A_250 : i32 to vector<16xi32>
        tpu.vector_store_idx %arg9[%add3A_37, %broadcast_in_dim3A_251], %exp3A_249 : memref<400x129xf32, #tpu.memory_space<vmem>>[vector<16xi32>, vector<16xi32>], vector<16xf32>,
        %add3A_252 = arith.constant 13 : i32
        %add3A_253 = vector.broadcast %add3A_252 : i32 to vector<16xi32>
        %add3A_254 = arith.addi %mul3A_33, %add3A_253 : vector<16xi32>
        %gather3A_255 = tpu.vector_load_idx %arg8[%add3A_254] : memref<6500xf32, #tpu.memory_space<vmem>>[vector<16xi32>], vector<16xf32>,
        %broadcast_in_dim3A_256 = arith.constant 77 : i32
        %broadcast_in_dim3A_257 = vector.broadcast %broadcast_in_dim3A_256 : i32 to vector<16xi32>
        tpu.vector_store_idx %arg9[%add3A_37, %broadcast_in_dim3A_257], %gather3A_255 : memref<400x129xf32, #tpu.memory_space<vmem>>[vector<16xi32>, vector<16xi32>], vector<16xf32>,
        %sub3A_258 = arith.constant 4.44444466 : f32
        %sub3A_259 = vector.broadcast %sub3A_258 : f32 to vector<16xf32>
        %sub3A_260 = arith.subf %get3A_28, %sub3A_259 : vector<16xf32>
        %mul3A_261 = arith.mulf %sub3A_260, %sub3A_260 : vector<16xf32>
        %mul3A_262 = arith.constant -4.961250e+00 : f32
        %mul3A_263 = vector.broadcast %mul3A_262 : f32 to vector<16xf32>
        %mul3A_264 = arith.mulf %mul3A_263, %mul3A_261 : vector<16xf32>
        %exp3A_265 = math.exp %mul3A_264 : vector<16xf32>
        %broadcast_in_dim3A_266 = arith.constant 14 : i32
        %broadcast_in_dim3A_267 = vector.broadcast %broadcast_in_dim3A_266 : i32 to vector<16xi32>
        tpu.vector_store_idx %arg9[%add3A_37, %broadcast_in_dim3A_267], %exp3A_265 : memref<400x129xf32, #tpu.memory_space<vmem>>[vector<16xi32>, vector<16xi32>], vector<16xf32>,
        %add3A_268 = arith.constant 14 : i32
        %add3A_269 = vector.broadcast %add3A_268 : i32 to vector<16xi32>
        %add3A_270 = arith.addi %mul3A_33, %add3A_269 : vector<16xi32>
        %gather3A_271 = tpu.vector_load_idx %arg8[%add3A_270] : memref<6500xf32, #tpu.memory_space<vmem>>[vector<16xi32>], vector<16xf32>,
        %broadcast_in_dim3A_272 = arith.constant 78 : i32
        %broadcast_in_dim3A_273 = vector.broadcast %broadcast_in_dim3A_272 : i32 to vector<16xi32>
        tpu.vector_store_idx %arg9[%add3A_37, %broadcast_in_dim3A_273], %gather3A_271 : memref<400x129xf32, #tpu.memory_space<vmem>>[vector<16xi32>, vector<16xi32>], vector<16xf32>,
        %sub3A_274 = arith.constant 4.76190472 : f32
        %sub3A_275 = vector.broadcast %sub3A_274 : f32 to vector<16xf32>
        %sub3A_276 = arith.subf %get3A_28, %sub3A_275 : vector<16xf32>
        %mul3A_277 = arith.mulf %sub3A_276, %sub3A_276 : vector<16xf32>
        %mul3A_278 = arith.constant -4.961250e+00 : f32
        %mul3A_279 = vector.broadcast %mul3A_278 : f32 to vector<16xf32>
        %mul3A_280 = arith.mulf %mul3A_279, %mul3A_277 : vector<16xf32>
        %exp3A_281 = math.exp %mul3A_280 : vector<16xf32>
        %broadcast_in_dim3A_282 = arith.constant 15 : i32
        %broadcast_in_dim3A_283 = vector.broadcast %broadcast_in_dim3A_282 : i32 to vector<16xi32>
        tpu.vector_store_idx %arg9[%add3A_37, %broadcast_in_dim3A_283], %exp3A_281 : memref<400x129xf32, #tpu.memory_space<vmem>>[vector<16xi32>, vector<16xi32>], vector<16xf32>,
        %add3A_284 = arith.constant 15 : i32
        %add3A_285 = vector.broadcast %add3A_284 : i32 to vector<16xi32>
        %add3A_286 = arith.addi %mul3A_33, %add3A_285 : vector<16xi32>
        %gather3A_287 = tpu.vector_load_idx %arg8[%add3A_286] : memref<6500xf32, #tpu.memory_space<vmem>>[vector<16xi32>], vector<16xf32>,
        %broadcast_in_dim3A_288 = arith.constant 79 : i32
        %broadcast_in_dim3A_289 = vector.broadcast %broadcast_in_dim3A_288 : i32 to vector<16xi32>
        tpu.vector_store_idx %arg9[%add3A_37, %broadcast_in_dim3A_289], %gather3A_287 : memref<400x129xf32, #tpu.memory_space<vmem>>[vector<16xi32>, vector<16xi32>], vector<16xf32>,
        %sub3A_290 = arith.constant 5.07936525 : f32
        %sub3A_291 = vector.broadcast %sub3A_290 : f32 to vector<16xf32>
        %sub3A_292 = arith.subf %get3A_28, %sub3A_291 : vector<16xf32>
        %mul3A_293 = arith.mulf %sub3A_292, %sub3A_292 : vector<16xf32>
        %mul3A_294 = arith.constant -4.961250e+00 : f32
        %mul3A_295 = vector.broadcast %mul3A_294 : f32 to vector<16xf32>
        %mul3A_296 = arith.mulf %mul3A_295, %mul3A_293 : vector<16xf32>
        %exp3A_297 = math.exp %mul3A_296 : vector<16xf32>
        %broadcast_in_dim3A_298 = arith.constant 16 : i32
        %broadcast_in_dim3A_299 = vector.broadcast %broadcast_in_dim3A_298 : i32 to vector<16xi32>
        tpu.vector_store_idx %arg9[%add3A_37, %broadcast_in_dim3A_299], %exp3A_297 : memref<400x129xf32, #tpu.memory_space<vmem>>[vector<16xi32>, vector<16xi32>], vector<16xf32>,
        %add3A_300 = arith.constant 16 : i32
        %add3A_301 = vector.broadcast %add3A_300 : i32 to vector<16xi32>
        %add3A_302 = arith.addi %mul3A_33, %add3A_301 : vector<16xi32>
        %gather3A_303 = tpu.vector_load_idx %arg8[%add3A_302] : memref<6500xf32, #tpu.memory_space<vmem>>[vector<16xi32>], vector<16xf32>,
        %broadcast_in_dim3A_304 = arith.constant 80 : i32
        %broadcast_in_dim3A_305 = vector.broadcast %broadcast_in_dim3A_304 : i32 to vector<16xi32>
        tpu.vector_store_idx %arg9[%add3A_37, %broadcast_in_dim3A_305], %gather3A_303 : memref<400x129xf32, #tpu.memory_space<vmem>>[vector<16xi32>, vector<16xi32>], vector<16xf32>,
        %sub3A_306 = arith.constant 5.39682531 : f32
        %sub3A_307 = vector.broadcast %sub3A_306 : f32 to vector<16xf32>
        %sub3A_308 = arith.subf %get3A_28, %sub3A_307 : vector<16xf32>
        %mul3A_309 = arith.mulf %sub3A_308, %sub3A_308 : vector<16xf32>
        %mul3A_310 = arith.constant -4.961250e+00 : f32
        %mul3A_311 = vector.broadcast %mul3A_310 : f32 to vector<16xf32>
        %mul3A_312 = arith.mulf %mul3A_311, %mul3A_309 : vector<16xf32>
        %exp3A_313 = math.exp %mul3A_312 : vector<16xf32>
        %broadcast_in_dim3A_314 = arith.constant 17 : i32
        %broadcast_in_dim3A_315 = vector.broadcast %broadcast_in_dim3A_314 : i32 to vector<16xi32>
        tpu.vector_store_idx %arg9[%add3A_37, %broadcast_in_dim3A_315], %exp3A_313 : memref<400x129xf32, #tpu.memory_space<vmem>>[vector<16xi32>, vector<16xi32>], vector<16xf32>,
        %add3A_316 = arith.constant 17 : i32
        %add3A_317 = vector.broadcast %add3A_316 : i32 to vector<16xi32>
        %add3A_318 = arith.addi %mul3A_33, %add3A_317 : vector<16xi32>
        %gather3A_319 = tpu.vector_load_idx %arg8[%add3A_318] : memref<6500xf32, #tpu.memory_space<vmem>>[vector<16xi32>], vector<16xf32>,
        %broadcast_in_dim3A_320 = arith.constant 81 : i32
        %broadcast_in_dim3A_321 = vector.broadcast %broadcast_in_dim3A_320 : i32 to vector<16xi32>
        tpu.vector_store_idx %arg9[%add3A_37, %broadcast_in_dim3A_321], %gather3A_319 : memref<400x129xf32, #tpu.memory_space<vmem>>[vector<16xi32>, vector<16xi32>], vector<16xf32>,
        %sub3A_322 = arith.constant 5.71428585 : f32
        %sub3A_323 = vector.broadcast %sub3A_322 : f32 to vector<16xf32>
        %sub3A_324 = arith.subf %get3A_28, %sub3A_323 : vector<16xf32>
        %mul3A_325 = arith.mulf %sub3A_324, %sub3A_324 : vector<16xf32>
        %mul3A_326 = arith.constant -4.961250e+00 : f32
        %mul3A_327 = vector.broadcast %mul3A_326 : f32 to vector<16xf32>
        %mul3A_328 = arith.mulf %mul3A_327, %mul3A_325 : vector<16xf32>
        %exp3A_329 = math.exp %mul3A_328 : vector<16xf32>
        %broadcast_in_dim3A_330 = arith.constant 18 : i32
        %broadcast_in_dim3A_331 = vector.broadcast %broadcast_in_dim3A_330 : i32 to vector<16xi32>
        tpu.vector_store_idx %arg9[%add3A_37, %broadcast_in_dim3A_331], %exp3A_329 : memref<400x129xf32, #tpu.memory_space<vmem>>[vector<16xi32>, vector<16xi32>], vector<16xf32>,
        %add3A_332 = arith.constant 18 : i32
        %add3A_333 = vector.broadcast %add3A_332 : i32 to vector<16xi32>
        %add3A_334 = arith.addi %mul3A_33, %add3A_333 : vector<16xi32>
        %gather3A_335 = tpu.vector_load_idx %arg8[%add3A_334] : memref<6500xf32, #tpu.memory_space<vmem>>[vector<16xi32>], vector<16xf32>,
        %broadcast_in_dim3A_336 = arith.constant 82 : i32
        %broadcast_in_dim3A_337 = vector.broadcast %broadcast_in_dim3A_336 : i32 to vector<16xi32>
        tpu.vector_store_idx %arg9[%add3A_37, %broadcast_in_dim3A_337], %gather3A_335 : memref<400x129xf32, #tpu.memory_space<vmem>>[vector<16xi32>, vector<16xi32>], vector<16xf32>,
        %sub3A_338 = arith.constant 6.03174591 : f32
        %sub3A_339 = vector.broadcast %sub3A_338 : f32 to vector<16xf32>
        %sub3A_340 = arith.subf %get3A_28, %sub3A_339 : vector<16xf32>
        %mul3A_341 = arith.mulf %sub3A_340, %sub3A_340 : vector<16xf32>
        %mul3A_342 = arith.constant -4.961250e+00 : f32
        %mul3A_343 = vector.broadcast %mul3A_342 : f32 to vector<16xf32>
        %mul3A_344 = arith.mulf %mul3A_343, %mul3A_341 : vector<16xf32>
        %exp3A_345 = math.exp %mul3A_344 : vector<16xf32>
        %broadcast_in_dim3A_346 = arith.constant 19 : i32
        %broadcast_in_dim3A_347 = vector.broadcast %broadcast_in_dim3A_346 : i32 to vector<16xi32>
        tpu.vector_store_idx %arg9[%add3A_37, %broadcast_in_dim3A_347], %exp3A_345 : memref<400x129xf32, #tpu.memory_space<vmem>>[vector<16xi32>, vector<16xi32>], vector<16xf32>,
        %add3A_348 = arith.constant 19 : i32
        %add3A_349 = vector.broadcast %add3A_348 : i32 to vector<16xi32>
        %add3A_350 = arith.addi %mul3A_33, %add3A_349 : vector<16xi32>
        %gather3A_351 = tpu.vector_load_idx %arg8[%add3A_350] : memref<6500xf32, #tpu.memory_space<vmem>>[vector<16xi32>], vector<16xf32>,
        %broadcast_in_dim3A_352 = arith.constant 83 : i32
        %broadcast_in_dim3A_353 = vector.broadcast %broadcast_in_dim3A_352 : i32 to vector<16xi32>
        tpu.vector_store_idx %arg9[%add3A_37, %broadcast_in_dim3A_353], %gather3A_351 : memref<400x129xf32, #tpu.memory_space<vmem>>[vector<16xi32>, vector<16xi32>], vector<16xf32>,
        %sub3A_354 = arith.constant 6.34920645 : f32
        %sub3A_355 = vector.broadcast %sub3A_354 : f32 to vector<16xf32>
        %sub3A_356 = arith.subf %get3A_28, %sub3A_355 : vector<16xf32>
        %mul3A_357 = arith.mulf %sub3A_356, %sub3A_356 : vector<16xf32>
        %mul3A_358 = arith.constant -4.961250e+00 : f32
        %mul3A_359 = vector.broadcast %mul3A_358 : f32 to vector<16xf32>
        %mul3A_360 = arith.mulf %mul3A_359, %mul3A_357 : vector<16xf32>
        %exp3A_361 = math.exp %mul3A_360 : vector<16xf32>
        %broadcast_in_dim3A_362 = arith.constant 20 : i32
        %broadcast_in_dim3A_363 = vector.broadcast %broadcast_in_dim3A_362 : i32 to vector<16xi32>
        tpu.vector_store_idx %arg9[%add3A_37, %broadcast_in_dim3A_363], %exp3A_361 : memref<400x129xf32, #tpu.memory_space<vmem>>[vector<16xi32>, vector<16xi32>], vector<16xf32>,
        %add3A_364 = arith.constant 20 : i32
        %add3A_365 = vector.broadcast %add3A_364 : i32 to vector<16xi32>
        %add3A_366 = arith.addi %mul3A_33, %add3A_365 : vector<16xi32>
        %gather3A_367 = tpu.vector_load_idx %arg8[%add3A_366] : memref<6500xf32, #tpu.memory_space<vmem>>[vector<16xi32>], vector<16xf32>,
        %broadcast_in_dim3A_368 = arith.constant 84 : i32
        %broadcast_in_dim3A_369 = vector.broadcast %broadcast_in_dim3A_368 : i32 to vector<16xi32>
        tpu.vector_store_idx %arg9[%add3A_37, %broadcast_in_dim3A_369], %gather3A_367 : memref<400x129xf32, #tpu.memory_space<vmem>>[vector<16xi32>, vector<16xi32>], vector<16xf32>,
        %sub3A_370 = arith.constant 6.66666651 : f32
        %sub3A_371 = vector.broadcast %sub3A_370 : f32 to vector<16xf32>
        %sub3A_372 = arith.subf %get3A_28, %sub3A_371 : vector<16xf32>
        %mul3A_373 = arith.mulf %sub3A_372, %sub3A_372 : vector<16xf32>
        %mul3A_374 = arith.constant -4.961250e+00 : f32
        %mul3A_375 = vector.broadcast %mul3A_374 : f32 to vector<16xf32>
        %mul3A_376 = arith.mulf %mul3A_375, %mul3A_373 : vector<16xf32>
        %exp3A_377 = math.exp %mul3A_376 : vector<16xf32>
        %broadcast_in_dim3A_378 = arith.constant 21 : i32
        %broadcast_in_dim3A_379 = vector.broadcast %broadcast_in_dim3A_378 : i32 to vector<16xi32>
        tpu.vector_store_idx %arg9[%add3A_37, %broadcast_in_dim3A_379], %exp3A_377 : memref<400x129xf32, #tpu.memory_space<vmem>>[vector<16xi32>, vector<16xi32>], vector<16xf32>,
        %add3A_380 = arith.constant 21 : i32
        %add3A_381 = vector.broadcast %add3A_380 : i32 to vector<16xi32>
        %add3A_382 = arith.addi %mul3A_33, %add3A_381 : vector<16xi32>
        %gather3A_383 = tpu.vector_load_idx %arg8[%add3A_382] : memref<6500xf32, #tpu.memory_space<vmem>>[vector<16xi32>], vector<16xf32>,
        %broadcast_in_dim3A_384 = arith.constant 85 : i32
        %broadcast_in_dim3A_385 = vector.broadcast %broadcast_in_dim3A_384 : i32 to vector<16xi32>
        tpu.vector_store_idx %arg9[%add3A_37, %broadcast_in_dim3A_385], %gather3A_383 : memref<400x129xf32, #tpu.memory_space<vmem>>[vector<16xi32>, vector<16xi32>], vector<16xf32>,
        %sub3A_386 = arith.constant 6.98412704 : f32
        %sub3A_387 = vector.broadcast %sub3A_386 : f32 to vector<16xf32>
        %sub3A_388 = arith.subf %get3A_28, %sub3A_387 : vector<16xf32>
        %mul3A_389 = arith.mulf %sub3A_388, %sub3A_388 : vector<16xf32>
        %mul3A_390 = arith.constant -4.961250e+00 : f32
        %mul3A_391 = vector.broadcast %mul3A_390 : f32 to vector<16xf32>
        %mul3A_392 = arith.mulf %mul3A_391, %mul3A_389 : vector<16xf32>
        %exp3A_393 = math.exp %mul3A_392 : vector<16xf32>
        %broadcast_in_dim3A_394 = arith.constant 22 : i32
        %broadcast_in_dim3A_395 = vector.broadcast %broadcast_in_dim3A_394 : i32 to vector<16xi32>
        tpu.vector_store_idx %arg9[%add3A_37, %broadcast_in_dim3A_395], %exp3A_393 : memref<400x129xf32, #tpu.memory_space<vmem>>[vector<16xi32>, vector<16xi32>], vector<16xf32>,
        %add3A_396 = arith.constant 22 : i32
        %add3A_397 = vector.broadcast %add3A_396 : i32 to vector<16xi32>
        %add3A_398 = arith.addi %mul3A_33, %add3A_397 : vector<16xi32>
        %gather3A_399 = tpu.vector_load_idx %arg8[%add3A_398] : memref<6500xf32, #tpu.memory_space<vmem>>[vector<16xi32>], vector<16xf32>,
        %broadcast_in_dim3A_400 = arith.constant 86 : i32
        %broadcast_in_dim3A_401 = vector.broadcast %broadcast_in_dim3A_400 : i32 to vector<16xi32>
        tpu.vector_store_idx %arg9[%add3A_37, %broadcast_in_dim3A_401], %gather3A_399 : memref<400x129xf32, #tpu.memory_space<vmem>>[vector<16xi32>, vector<16xi32>], vector<16xf32>,
        %sub3A_402 = arith.constant 7.3015871 : f32
        %sub3A_403 = vector.broadcast %sub3A_402 : f32 to vector<16xf32>
        %sub3A_404 = arith.subf %get3A_28, %sub3A_403 : vector<16xf32>
        %mul3A_405 = arith.mulf %sub3A_404, %sub3A_404 : vector<16xf32>
        %mul3A_406 = arith.constant -4.961250e+00 : f32
        %mul3A_407 = vector.broadcast %mul3A_406 : f32 to vector<16xf32>
        %mul3A_408 = arith.mulf %mul3A_407, %mul3A_405 : vector<16xf32>
        %exp3A_409 = math.exp %mul3A_408 : vector<16xf32>
        %broadcast_in_dim3A_410 = arith.constant 23 : i32
        %broadcast_in_dim3A_411 = vector.broadcast %broadcast_in_dim3A_410 : i32 to vector<16xi32>
        tpu.vector_store_idx %arg9[%add3A_37, %broadcast_in_dim3A_411], %exp3A_409 : memref<400x129xf32, #tpu.memory_space<vmem>>[vector<16xi32>, vector<16xi32>], vector<16xf32>,
        %add3A_412 = arith.constant 23 : i32
        %add3A_413 = vector.broadcast %add3A_412 : i32 to vector<16xi32>
        %add3A_414 = arith.addi %mul3A_33, %add3A_413 : vector<16xi32>
        %gather3A_415 = tpu.vector_load_idx %arg8[%add3A_414] : memref<6500xf32, #tpu.memory_space<vmem>>[vector<16xi32>], vector<16xf32>,
        %broadcast_in_dim3A_416 = arith.constant 87 : i32
        %broadcast_in_dim3A_417 = vector.broadcast %broadcast_in_dim3A_416 : i32 to vector<16xi32>
        tpu.vector_store_idx %arg9[%add3A_37, %broadcast_in_dim3A_417], %gather3A_415 : memref<400x129xf32, #tpu.memory_space<vmem>>[vector<16xi32>, vector<16xi32>], vector<16xf32>,
        %sub3A_418 = arith.constant 7.61904764 : f32
        %sub3A_419 = vector.broadcast %sub3A_418 : f32 to vector<16xf32>
        %sub3A_420 = arith.subf %get3A_28, %sub3A_419 : vector<16xf32>
        %mul3A_421 = arith.mulf %sub3A_420, %sub3A_420 : vector<16xf32>
        %mul3A_422 = arith.constant -4.961250e+00 : f32
        %mul3A_423 = vector.broadcast %mul3A_422 : f32 to vector<16xf32>
        %mul3A_424 = arith.mulf %mul3A_423, %mul3A_421 : vector<16xf32>
        %exp3A_425 = math.exp %mul3A_424 : vector<16xf32>
        %broadcast_in_dim3A_426 = arith.constant 24 : i32
        %broadcast_in_dim3A_427 = vector.broadcast %broadcast_in_dim3A_426 : i32 to vector<16xi32>
        tpu.vector_store_idx %arg9[%add3A_37, %broadcast_in_dim3A_427], %exp3A_425 : memref<400x129xf32, #tpu.memory_space<vmem>>[vector<16xi32>, vector<16xi32>], vector<16xf32>,
        %add3A_428 = arith.constant 24 : i32
        %add3A_429 = vector.broadcast %add3A_428 : i32 to vector<16xi32>
        %add3A_430 = arith.addi %mul3A_33, %add3A_429 : vector<16xi32>
        %gather3A_431 = tpu.vector_load_idx %arg8[%add3A_430] : memref<6500xf32, #tpu.memory_space<vmem>>[vector<16xi32>], vector<16xf32>,
        %broadcast_in_dim3A_432 = arith.constant 88 : i32
        %broadcast_in_dim3A_433 = vector.broadcast %broadcast_in_dim3A_432 : i32 to vector<16xi32>
        tpu.vector_store_idx %arg9[%add3A_37, %broadcast_in_dim3A_433], %gather3A_431 : memref<400x129xf32, #tpu.memory_space<vmem>>[vector<16xi32>, vector<16xi32>], vector<16xf32>,
        %sub3A_434 = arith.constant 7.9365077 : f32
        %sub3A_435 = vector.broadcast %sub3A_434 : f32 to vector<16xf32>
        %sub3A_436 = arith.subf %get3A_28, %sub3A_435 : vector<16xf32>
        %mul3A_437 = arith.mulf %sub3A_436, %sub3A_436 : vector<16xf32>
        %mul3A_438 = arith.constant -4.961250e+00 : f32
        %mul3A_439 = vector.broadcast %mul3A_438 : f32 to vector<16xf32>
        %mul3A_440 = arith.mulf %mul3A_439, %mul3A_437 : vector<16xf32>
        %exp3A_441 = math.exp %mul3A_440 : vector<16xf32>
        %broadcast_in_dim3A_442 = arith.constant 25 : i32
        %broadcast_in_dim3A_443 = vector.broadcast %broadcast_in_dim3A_442 : i32 to vector<16xi32>
        tpu.vector_store_idx %arg9[%add3A_37, %broadcast_in_dim3A_443], %exp3A_441 : memref<400x129xf32, #tpu.memory_space<vmem>>[vector<16xi32>, vector<16xi32>], vector<16xf32>,
        %add3A_444 = arith.constant 25 : i32
        %add3A_445 = vector.broadcast %add3A_444 : i32 to vector<16xi32>
        %add3A_446 = arith.addi %mul3A_33, %add3A_445 : vector<16xi32>
        %gather3A_447 = tpu.vector_load_idx %arg8[%add3A_446] : memref<6500xf32, #tpu.memory_space<vmem>>[vector<16xi32>], vector<16xf32>,
        %broadcast_in_dim3A_448 = arith.constant 89 : i32
        %broadcast_in_dim3A_449 = vector.broadcast %broadcast_in_dim3A_448 : i32 to vector<16xi32>
        tpu.vector_store_idx %arg9[%add3A_37, %broadcast_in_dim3A_449], %gather3A_447 : memref<400x129xf32, #tpu.memory_space<vmem>>[vector<16xi32>, vector<16xi32>], vector<16xf32>,
        %sub3A_450 = arith.constant 8.25396823 : f32
        %sub3A_451 = vector.broadcast %sub3A_450 : f32 to vector<16xf32>
        %sub3A_452 = arith.subf %get3A_28, %sub3A_451 : vector<16xf32>
        %mul3A_453 = arith.mulf %sub3A_452, %sub3A_452 : vector<16xf32>
        %mul3A_454 = arith.constant -4.961250e+00 : f32
        %mul3A_455 = vector.broadcast %mul3A_454 : f32 to vector<16xf32>
        %mul3A_456 = arith.mulf %mul3A_455, %mul3A_453 : vector<16xf32>
        %exp3A_457 = math.exp %mul3A_456 : vector<16xf32>
        %broadcast_in_dim3A_458 = arith.constant 26 : i32
        %broadcast_in_dim3A_459 = vector.broadcast %broadcast_in_dim3A_458 : i32 to vector<16xi32>
        tpu.vector_store_idx %arg9[%add3A_37, %broadcast_in_dim3A_459], %exp3A_457 : memref<400x129xf32, #tpu.memory_space<vmem>>[vector<16xi32>, vector<16xi32>], vector<16xf32>,
        %add3A_460 = arith.constant 26 : i32
        %add3A_461 = vector.broadcast %add3A_460 : i32 to vector<16xi32>
        %add3A_462 = arith.addi %mul3A_33, %add3A_461 : vector<16xi32>
        %gather3A_463 = tpu.vector_load_idx %arg8[%add3A_462] : memref<6500xf32, #tpu.memory_space<vmem>>[vector<16xi32>], vector<16xf32>,
        %broadcast_in_dim3A_464 = arith.constant 90 : i32
        %broadcast_in_dim3A_465 = vector.broadcast %broadcast_in_dim3A_464 : i32 to vector<16xi32>
        tpu.vector_store_idx %arg9[%add3A_37, %broadcast_in_dim3A_465], %gather3A_463 : memref<400x129xf32, #tpu.memory_space<vmem>>[vector<16xi32>, vector<16xi32>], vector<16xf32>,
        %sub3A_466 = arith.constant 8.57142829 : f32
        %sub3A_467 = vector.broadcast %sub3A_466 : f32 to vector<16xf32>
        %sub3A_468 = arith.subf %get3A_28, %sub3A_467 : vector<16xf32>
        %mul3A_469 = arith.mulf %sub3A_468, %sub3A_468 : vector<16xf32>
        %mul3A_470 = arith.constant -4.961250e+00 : f32
        %mul3A_471 = vector.broadcast %mul3A_470 : f32 to vector<16xf32>
        %mul3A_472 = arith.mulf %mul3A_471, %mul3A_469 : vector<16xf32>
        %exp3A_473 = math.exp %mul3A_472 : vector<16xf32>
        %broadcast_in_dim3A_474 = arith.constant 27 : i32
        %broadcast_in_dim3A_475 = vector.broadcast %broadcast_in_dim3A_474 : i32 to vector<16xi32>
        tpu.vector_store_idx %arg9[%add3A_37, %broadcast_in_dim3A_475], %exp3A_473 : memref<400x129xf32, #tpu.memory_space<vmem>>[vector<16xi32>, vector<16xi32>], vector<16xf32>,
        %add3A_476 = arith.constant 27 : i32
        %add3A_477 = vector.broadcast %add3A_476 : i32 to vector<16xi32>
        %add3A_478 = arith.addi %mul3A_33, %add3A_477 : vector<16xi32>
        %gather3A_479 = tpu.vector_load_idx %arg8[%add3A_478] : memref<6500xf32, #tpu.memory_space<vmem>>[vector<16xi32>], vector<16xf32>,
        %broadcast_in_dim3A_480 = arith.constant 91 : i32
        %broadcast_in_dim3A_481 = vector.broadcast %broadcast_in_dim3A_480 : i32 to vector<16xi32>
        tpu.vector_store_idx %arg9[%add3A_37, %broadcast_in_dim3A_481], %gather3A_479 : memref<400x129xf32, #tpu.memory_space<vmem>>[vector<16xi32>, vector<16xi32>], vector<16xf32>,
        %sub3A_482 = arith.constant 8.88888931 : f32
        %sub3A_483 = vector.broadcast %sub3A_482 : f32 to vector<16xf32>
        %sub3A_484 = arith.subf %get3A_28, %sub3A_483 : vector<16xf32>
        %mul3A_485 = arith.mulf %sub3A_484, %sub3A_484 : vector<16xf32>
        %mul3A_486 = arith.constant -4.961250e+00 : f32
        %mul3A_487 = vector.broadcast %mul3A_486 : f32 to vector<16xf32>
        %mul3A_488 = arith.mulf %mul3A_487, %mul3A_485 : vector<16xf32>
        %exp3A_489 = math.exp %mul3A_488 : vector<16xf32>
        %broadcast_in_dim3A_490 = arith.constant 28 : i32
        %broadcast_in_dim3A_491 = vector.broadcast %broadcast_in_dim3A_490 : i32 to vector<16xi32>
        tpu.vector_store_idx %arg9[%add3A_37, %broadcast_in_dim3A_491], %exp3A_489 : memref<400x129xf32, #tpu.memory_space<vmem>>[vector<16xi32>, vector<16xi32>], vector<16xf32>,
        %add3A_492 = arith.constant 28 : i32
        %add3A_493 = vector.broadcast %add3A_492 : i32 to vector<16xi32>
        %add3A_494 = arith.addi %mul3A_33, %add3A_493 : vector<16xi32>
        %gather3A_495 = tpu.vector_load_idx %arg8[%add3A_494] : memref<6500xf32, #tpu.memory_space<vmem>>[vector<16xi32>], vector<16xf32>,
        %broadcast_in_dim3A_496 = arith.constant 92 : i32
        %broadcast_in_dim3A_497 = vector.broadcast %broadcast_in_dim3A_496 : i32 to vector<16xi32>
        tpu.vector_store_idx %arg9[%add3A_37, %broadcast_in_dim3A_497], %gather3A_495 : memref<400x129xf32, #tpu.memory_space<vmem>>[vector<16xi32>, vector<16xi32>], vector<16xf32>,
        %sub3A_498 = arith.constant 9.20634937 : f32
        %sub3A_499 = vector.broadcast %sub3A_498 : f32 to vector<16xf32>
        %sub3A_500 = arith.subf %get3A_28, %sub3A_499 : vector<16xf32>
        %mul3A_501 = arith.mulf %sub3A_500, %sub3A_500 : vector<16xf32>
        %mul3A_502 = arith.constant -4.961250e+00 : f32
        %mul3A_503 = vector.broadcast %mul3A_502 : f32 to vector<16xf32>
        %mul3A_504 = arith.mulf %mul3A_503, %mul3A_501 : vector<16xf32>
        %exp3A_505 = math.exp %mul3A_504 : vector<16xf32>
        %broadcast_in_dim3A_506 = arith.constant 29 : i32
        %broadcast_in_dim3A_507 = vector.broadcast %broadcast_in_dim3A_506 : i32 to vector<16xi32>
        tpu.vector_store_idx %arg9[%add3A_37, %broadcast_in_dim3A_507], %exp3A_505 : memref<400x129xf32, #tpu.memory_space<vmem>>[vector<16xi32>, vector<16xi32>], vector<16xf32>,
        %add3A_508 = arith.constant 29 : i32
        %add3A_509 = vector.broadcast %add3A_508 : i32 to vector<16xi32>
        %add3A_510 = arith.addi %mul3A_33, %add3A_509 : vector<16xi32>
        %gather3A_511 = tpu.vector_load_idx %arg8[%add3A_510] : memref<6500xf32, #tpu.memory_space<vmem>>[vector<16xi32>], vector<16xf32>,
        %broadcast_in_dim3A_512 = arith.constant 93 : i32
        %broadcast_in_dim3A_513 = vector.broadcast %broadcast_in_dim3A_512 : i32 to vector<16xi32>
        tpu.vector_store_idx %arg9[%add3A_37, %broadcast_in_dim3A_513], %gather3A_511 : memref<400x129xf32, #tpu.memory_space<vmem>>[vector<16xi32>, vector<16xi32>], vector<16xf32>,
        %sub3A_514 = arith.constant 9.52380943 : f32
        %sub3A_515 = vector.broadcast %sub3A_514 : f32 to vector<16xf32>
        %sub3A_516 = arith.subf %get3A_28, %sub3A_515 : vector<16xf32>
        %mul3A_517 = arith.mulf %sub3A_516, %sub3A_516 : vector<16xf32>
        %mul3A_518 = arith.constant -4.961250e+00 : f32
        %mul3A_519 = vector.broadcast %mul3A_518 : f32 to vector<16xf32>
        %mul3A_520 = arith.mulf %mul3A_519, %mul3A_517 : vector<16xf32>
        %exp3A_521 = math.exp %mul3A_520 : vector<16xf32>
        %broadcast_in_dim3A_522 = arith.constant 30 : i32
        %broadcast_in_dim3A_523 = vector.broadcast %broadcast_in_dim3A_522 : i32 to vector<16xi32>
        tpu.vector_store_idx %arg9[%add3A_37, %broadcast_in_dim3A_523], %exp3A_521 : memref<400x129xf32, #tpu.memory_space<vmem>>[vector<16xi32>, vector<16xi32>], vector<16xf32>,
        %add3A_524 = arith.constant 30 : i32
        %add3A_525 = vector.broadcast %add3A_524 : i32 to vector<16xi32>
        %add3A_526 = arith.addi %mul3A_33, %add3A_525 : vector<16xi32>
        %gather3A_527 = tpu.vector_load_idx %arg8[%add3A_526] : memref<6500xf32, #tpu.memory_space<vmem>>[vector<16xi32>], vector<16xf32>,
        %broadcast_in_dim3A_528 = arith.constant 94 : i32
        %broadcast_in_dim3A_529 = vector.broadcast %broadcast_in_dim3A_528 : i32 to vector<16xi32>
        tpu.vector_store_idx %arg9[%add3A_37, %broadcast_in_dim3A_529], %gather3A_527 : memref<400x129xf32, #tpu.memory_space<vmem>>[vector<16xi32>, vector<16xi32>], vector<16xf32>,
        %sub3A_530 = arith.constant 9.84126949 : f32
        %sub3A_531 = vector.broadcast %sub3A_530 : f32 to vector<16xf32>
        %sub3A_532 = arith.subf %get3A_28, %sub3A_531 : vector<16xf32>
        %mul3A_533 = arith.mulf %sub3A_532, %sub3A_532 : vector<16xf32>
        %mul3A_534 = arith.constant -4.961250e+00 : f32
        %mul3A_535 = vector.broadcast %mul3A_534 : f32 to vector<16xf32>
        %mul3A_536 = arith.mulf %mul3A_535, %mul3A_533 : vector<16xf32>
        %exp3A_537 = math.exp %mul3A_536 : vector<16xf32>
        %broadcast_in_dim3A_538 = arith.constant 31 : i32
        %broadcast_in_dim3A_539 = vector.broadcast %broadcast_in_dim3A_538 : i32 to vector<16xi32>
        tpu.vector_store_idx %arg9[%add3A_37, %broadcast_in_dim3A_539], %exp3A_537 : memref<400x129xf32, #tpu.memory_space<vmem>>[vector<16xi32>, vector<16xi32>], vector<16xf32>,
        %add3A_540 = arith.constant 31 : i32
        %add3A_541 = vector.broadcast %add3A_540 : i32 to vector<16xi32>
        %add3A_542 = arith.addi %mul3A_33, %add3A_541 : vector<16xi32>
        %gather3A_543 = tpu.vector_load_idx %arg8[%add3A_542] : memref<6500xf32, #tpu.memory_space<vmem>>[vector<16xi32>], vector<16xf32>,
        %broadcast_in_dim3A_544 = arith.constant 95 : i32
        %broadcast_in_dim3A_545 = vector.broadcast %broadcast_in_dim3A_544 : i32 to vector<16xi32>
        tpu.vector_store_idx %arg9[%add3A_37, %broadcast_in_dim3A_545], %gather3A_543 : memref<400x129xf32, #tpu.memory_space<vmem>>[vector<16xi32>, vector<16xi32>], vector<16xf32>,
        %sub3A_546 = arith.constant 10.1587305 : f32
        %sub3A_547 = vector.broadcast %sub3A_546 : f32 to vector<16xf32>
        %sub3A_548 = arith.subf %get3A_28, %sub3A_547 : vector<16xf32>
        %mul3A_549 = arith.mulf %sub3A_548, %sub3A_548 : vector<16xf32>
        %mul3A_550 = arith.constant -4.961250e+00 : f32
        %mul3A_551 = vector.broadcast %mul3A_550 : f32 to vector<16xf32>
        %mul3A_552 = arith.mulf %mul3A_551, %mul3A_549 : vector<16xf32>
        %exp3A_553 = math.exp %mul3A_552 : vector<16xf32>
        %broadcast_in_dim3A_554 = arith.constant 32 : i32
        %broadcast_in_dim3A_555 = vector.broadcast %broadcast_in_dim3A_554 : i32 to vector<16xi32>
        tpu.vector_store_idx %arg9[%add3A_37, %broadcast_in_dim3A_555], %exp3A_553 : memref<400x129xf32, #tpu.memory_space<vmem>>[vector<16xi32>, vector<16xi32>], vector<16xf32>,
        %add3A_556 = arith.constant 32 : i32
        %add3A_557 = vector.broadcast %add3A_556 : i32 to vector<16xi32>
        %add3A_558 = arith.addi %mul3A_33, %add3A_557 : vector<16xi32>
        %gather3A_559 = tpu.vector_load_idx %arg8[%add3A_558] : memref<6500xf32, #tpu.memory_space<vmem>>[vector<16xi32>], vector<16xf32>,
        %broadcast_in_dim3A_560 = arith.constant 96 : i32
        %broadcast_in_dim3A_561 = vector.broadcast %broadcast_in_dim3A_560 : i32 to vector<16xi32>
        tpu.vector_store_idx %arg9[%add3A_37, %broadcast_in_dim3A_561], %gather3A_559 : memref<400x129xf32, #tpu.memory_space<vmem>>[vector<16xi32>, vector<16xi32>], vector<16xf32>,
        %sub3A_562 = arith.constant 10.4761906 : f32
        %sub3A_563 = vector.broadcast %sub3A_562 : f32 to vector<16xf32>
        %sub3A_564 = arith.subf %get3A_28, %sub3A_563 : vector<16xf32>
        %mul3A_565 = arith.mulf %sub3A_564, %sub3A_564 : vector<16xf32>
        %mul3A_566 = arith.constant -4.961250e+00 : f32
        %mul3A_567 = vector.broadcast %mul3A_566 : f32 to vector<16xf32>
        %mul3A_568 = arith.mulf %mul3A_567, %mul3A_565 : vector<16xf32>
        %exp3A_569 = math.exp %mul3A_568 : vector<16xf32>
        %broadcast_in_dim3A_570 = arith.constant 33 : i32
        %broadcast_in_dim3A_571 = vector.broadcast %broadcast_in_dim3A_570 : i32 to vector<16xi32>
        tpu.vector_store_idx %arg9[%add3A_37, %broadcast_in_dim3A_571], %exp3A_569 : memref<400x129xf32, #tpu.memory_space<vmem>>[vector<16xi32>, vector<16xi32>], vector<16xf32>,
        %add3A_572 = arith.constant 33 : i32
        %add3A_573 = vector.broadcast %add3A_572 : i32 to vector<16xi32>
        %add3A_574 = arith.addi %mul3A_33, %add3A_573 : vector<16xi32>
        %gather3A_575 = tpu.vector_load_idx %arg8[%add3A_574] : memref<6500xf32, #tpu.memory_space<vmem>>[vector<16xi32>], vector<16xf32>,
        %broadcast_in_dim3A_576 = arith.constant 97 : i32
        %broadcast_in_dim3A_577 = vector.broadcast %broadcast_in_dim3A_576 : i32 to vector<16xi32>
        tpu.vector_store_idx %arg9[%add3A_37, %broadcast_in_dim3A_577], %gather3A_575 : memref<400x129xf32, #tpu.memory_space<vmem>>[vector<16xi32>, vector<16xi32>], vector<16xf32>,
        %sub3A_578 = arith.constant 10.7936506 : f32
        %sub3A_579 = vector.broadcast %sub3A_578 : f32 to vector<16xf32>
        %sub3A_580 = arith.subf %get3A_28, %sub3A_579 : vector<16xf32>
        %mul3A_581 = arith.mulf %sub3A_580, %sub3A_580 : vector<16xf32>
        %mul3A_582 = arith.constant -4.961250e+00 : f32
        %mul3A_583 = vector.broadcast %mul3A_582 : f32 to vector<16xf32>
        %mul3A_584 = arith.mulf %mul3A_583, %mul3A_581 : vector<16xf32>
        %exp3A_585 = math.exp %mul3A_584 : vector<16xf32>
        %broadcast_in_dim3A_586 = arith.constant 34 : i32
        %broadcast_in_dim3A_587 = vector.broadcast %broadcast_in_dim3A_586 : i32 to vector<16xi32>
        tpu.vector_store_idx %arg9[%add3A_37, %broadcast_in_dim3A_587], %exp3A_585 : memref<400x129xf32, #tpu.memory_space<vmem>>[vector<16xi32>, vector<16xi32>], vector<16xf32>,
        %add3A_588 = arith.constant 34 : i32
        %add3A_589 = vector.broadcast %add3A_588 : i32 to vector<16xi32>
        %add3A_590 = arith.addi %mul3A_33, %add3A_589 : vector<16xi32>
        %gather3A_591 = tpu.vector_load_idx %arg8[%add3A_590] : memref<6500xf32, #tpu.memory_space<vmem>>[vector<16xi32>], vector<16xf32>,
        %broadcast_in_dim3A_592 = arith.constant 98 : i32
        %broadcast_in_dim3A_593 = vector.broadcast %broadcast_in_dim3A_592 : i32 to vector<16xi32>
        tpu.vector_store_idx %arg9[%add3A_37, %broadcast_in_dim3A_593], %gather3A_591 : memref<400x129xf32, #tpu.memory_space<vmem>>[vector<16xi32>, vector<16xi32>], vector<16xf32>,
        %sub3A_594 = arith.constant 11.1111107 : f32
        %sub3A_595 = vector.broadcast %sub3A_594 : f32 to vector<16xf32>
        %sub3A_596 = arith.subf %get3A_28, %sub3A_595 : vector<16xf32>
        %mul3A_597 = arith.mulf %sub3A_596, %sub3A_596 : vector<16xf32>
        %mul3A_598 = arith.constant -4.961250e+00 : f32
        %mul3A_599 = vector.broadcast %mul3A_598 : f32 to vector<16xf32>
        %mul3A_600 = arith.mulf %mul3A_599, %mul3A_597 : vector<16xf32>
        %exp3A_601 = math.exp %mul3A_600 : vector<16xf32>
        %broadcast_in_dim3A_602 = arith.constant 35 : i32
        %broadcast_in_dim3A_603 = vector.broadcast %broadcast_in_dim3A_602 : i32 to vector<16xi32>
        tpu.vector_store_idx %arg9[%add3A_37, %broadcast_in_dim3A_603], %exp3A_601 : memref<400x129xf32, #tpu.memory_space<vmem>>[vector<16xi32>, vector<16xi32>], vector<16xf32>,
        %add3A_604 = arith.constant 35 : i32
        %add3A_605 = vector.broadcast %add3A_604 : i32 to vector<16xi32>
        %add3A_606 = arith.addi %mul3A_33, %add3A_605 : vector<16xi32>
        %gather3A_607 = tpu.vector_load_idx %arg8[%add3A_606] : memref<6500xf32, #tpu.memory_space<vmem>>[vector<16xi32>], vector<16xf32>,
        %broadcast_in_dim3A_608 = arith.constant 99 : i32
        %broadcast_in_dim3A_609 = vector.broadcast %broadcast_in_dim3A_608 : i32 to vector<16xi32>
        tpu.vector_store_idx %arg9[%add3A_37, %broadcast_in_dim3A_609], %gather3A_607 : memref<400x129xf32, #tpu.memory_space<vmem>>[vector<16xi32>, vector<16xi32>], vector<16xf32>,
        %sub3A_610 = arith.constant 11.4285717 : f32
        %sub3A_611 = vector.broadcast %sub3A_610 : f32 to vector<16xf32>
        %sub3A_612 = arith.subf %get3A_28, %sub3A_611 : vector<16xf32>
        %mul3A_613 = arith.mulf %sub3A_612, %sub3A_612 : vector<16xf32>
        %mul3A_614 = arith.constant -4.961250e+00 : f32
        %mul3A_615 = vector.broadcast %mul3A_614 : f32 to vector<16xf32>
        %mul3A_616 = arith.mulf %mul3A_615, %mul3A_613 : vector<16xf32>
        %exp3A_617 = math.exp %mul3A_616 : vector<16xf32>
        %broadcast_in_dim3A_618 = arith.constant 36 : i32
        %broadcast_in_dim3A_619 = vector.broadcast %broadcast_in_dim3A_618 : i32 to vector<16xi32>
        tpu.vector_store_idx %arg9[%add3A_37, %broadcast_in_dim3A_619], %exp3A_617 : memref<400x129xf32, #tpu.memory_space<vmem>>[vector<16xi32>, vector<16xi32>], vector<16xf32>,
        %add3A_620 = arith.constant 36 : i32
        %add3A_621 = vector.broadcast %add3A_620 : i32 to vector<16xi32>
        %add3A_622 = arith.addi %mul3A_33, %add3A_621 : vector<16xi32>
        %gather3A_623 = tpu.vector_load_idx %arg8[%add3A_622] : memref<6500xf32, #tpu.memory_space<vmem>>[vector<16xi32>], vector<16xf32>,
        %broadcast_in_dim3A_624 = arith.constant 100 : i32
        %broadcast_in_dim3A_625 = vector.broadcast %broadcast_in_dim3A_624 : i32 to vector<16xi32>
        tpu.vector_store_idx %arg9[%add3A_37, %broadcast_in_dim3A_625], %gather3A_623 : memref<400x129xf32, #tpu.memory_space<vmem>>[vector<16xi32>, vector<16xi32>], vector<16xf32>,
        %sub3A_626 = arith.constant 11.7460318 : f32
        %sub3A_627 = vector.broadcast %sub3A_626 : f32 to vector<16xf32>
        %sub3A_628 = arith.subf %get3A_28, %sub3A_627 : vector<16xf32>
        %mul3A_629 = arith.mulf %sub3A_628, %sub3A_628 : vector<16xf32>
        %mul3A_630 = arith.constant -4.961250e+00 : f32
        %mul3A_631 = vector.broadcast %mul3A_630 : f32 to vector<16xf32>
        %mul3A_632 = arith.mulf %mul3A_631, %mul3A_629 : vector<16xf32>
        %exp3A_633 = math.exp %mul3A_632 : vector<16xf32>
        %broadcast_in_dim3A_634 = arith.constant 37 : i32
        %broadcast_in_dim3A_635 = vector.broadcast %broadcast_in_dim3A_634 : i32 to vector<16xi32>
        tpu.vector_store_idx %arg9[%add3A_37, %broadcast_in_dim3A_635], %exp3A_633 : memref<400x129xf32, #tpu.memory_space<vmem>>[vector<16xi32>, vector<16xi32>], vector<16xf32>,
        %add3A_636 = arith.constant 37 : i32
        %add3A_637 = vector.broadcast %add3A_636 : i32 to vector<16xi32>
        %add3A_638 = arith.addi %mul3A_33, %add3A_637 : vector<16xi32>
        %gather3A_639 = tpu.vector_load_idx %arg8[%add3A_638] : memref<6500xf32, #tpu.memory_space<vmem>>[vector<16xi32>], vector<16xf32>,
        %broadcast_in_dim3A_640 = arith.constant 101 : i32
        %broadcast_in_dim3A_641 = vector.broadcast %broadcast_in_dim3A_640 : i32 to vector<16xi32>
        tpu.vector_store_idx %arg9[%add3A_37, %broadcast_in_dim3A_641], %gather3A_639 : memref<400x129xf32, #tpu.memory_space<vmem>>[vector<16xi32>, vector<16xi32>], vector<16xf32>,
        %sub3A_642 = arith.constant 12.0634918 : f32
        %sub3A_643 = vector.broadcast %sub3A_642 : f32 to vector<16xf32>
        %sub3A_644 = arith.subf %get3A_28, %sub3A_643 : vector<16xf32>
        %mul3A_645 = arith.mulf %sub3A_644, %sub3A_644 : vector<16xf32>
        %mul3A_646 = arith.constant -4.961250e+00 : f32
        %mul3A_647 = vector.broadcast %mul3A_646 : f32 to vector<16xf32>
        %mul3A_648 = arith.mulf %mul3A_647, %mul3A_645 : vector<16xf32>
        %exp3A_649 = math.exp %mul3A_648 : vector<16xf32>
        %broadcast_in_dim3A_650 = arith.constant 38 : i32
        %broadcast_in_dim3A_651 = vector.broadcast %broadcast_in_dim3A_650 : i32 to vector<16xi32>
        tpu.vector_store_idx %arg9[%add3A_37, %broadcast_in_dim3A_651], %exp3A_649 : memref<400x129xf32, #tpu.memory_space<vmem>>[vector<16xi32>, vector<16xi32>], vector<16xf32>,
        %add3A_652 = arith.constant 38 : i32
        %add3A_653 = vector.broadcast %add3A_652 : i32 to vector<16xi32>
        %add3A_654 = arith.addi %mul3A_33, %add3A_653 : vector<16xi32>
        %gather3A_655 = tpu.vector_load_idx %arg8[%add3A_654] : memref<6500xf32, #tpu.memory_space<vmem>>[vector<16xi32>], vector<16xf32>,
        %broadcast_in_dim3A_656 = arith.constant 102 : i32
        %broadcast_in_dim3A_657 = vector.broadcast %broadcast_in_dim3A_656 : i32 to vector<16xi32>
        tpu.vector_store_idx %arg9[%add3A_37, %broadcast_in_dim3A_657], %gather3A_655 : memref<400x129xf32, #tpu.memory_space<vmem>>[vector<16xi32>, vector<16xi32>], vector<16xf32>,
        %sub3A_658 = arith.constant 12.3809528 : f32
        %sub3A_659 = vector.broadcast %sub3A_658 : f32 to vector<16xf32>
        %sub3A_660 = arith.subf %get3A_28, %sub3A_659 : vector<16xf32>
        %mul3A_661 = arith.mulf %sub3A_660, %sub3A_660 : vector<16xf32>
        %mul3A_662 = arith.constant -4.961250e+00 : f32
        %mul3A_663 = vector.broadcast %mul3A_662 : f32 to vector<16xf32>
        %mul3A_664 = arith.mulf %mul3A_663, %mul3A_661 : vector<16xf32>
        %exp3A_665 = math.exp %mul3A_664 : vector<16xf32>
        %broadcast_in_dim3A_666 = arith.constant 39 : i32
        %broadcast_in_dim3A_667 = vector.broadcast %broadcast_in_dim3A_666 : i32 to vector<16xi32>
        tpu.vector_store_idx %arg9[%add3A_37, %broadcast_in_dim3A_667], %exp3A_665 : memref<400x129xf32, #tpu.memory_space<vmem>>[vector<16xi32>, vector<16xi32>], vector<16xf32>,
        %add3A_668 = arith.constant 39 : i32
        %add3A_669 = vector.broadcast %add3A_668 : i32 to vector<16xi32>
        %add3A_670 = arith.addi %mul3A_33, %add3A_669 : vector<16xi32>
        %gather3A_671 = tpu.vector_load_idx %arg8[%add3A_670] : memref<6500xf32, #tpu.memory_space<vmem>>[vector<16xi32>], vector<16xf32>,
        %broadcast_in_dim3A_672 = arith.constant 103 : i32
        %broadcast_in_dim3A_673 = vector.broadcast %broadcast_in_dim3A_672 : i32 to vector<16xi32>
        tpu.vector_store_idx %arg9[%add3A_37, %broadcast_in_dim3A_673], %gather3A_671 : memref<400x129xf32, #tpu.memory_space<vmem>>[vector<16xi32>, vector<16xi32>], vector<16xf32>,
        %sub3A_674 = arith.constant 12.6984129 : f32
        %sub3A_675 = vector.broadcast %sub3A_674 : f32 to vector<16xf32>
        %sub3A_676 = arith.subf %get3A_28, %sub3A_675 : vector<16xf32>
        %mul3A_677 = arith.mulf %sub3A_676, %sub3A_676 : vector<16xf32>
        %mul3A_678 = arith.constant -4.961250e+00 : f32
        %mul3A_679 = vector.broadcast %mul3A_678 : f32 to vector<16xf32>
        %mul3A_680 = arith.mulf %mul3A_679, %mul3A_677 : vector<16xf32>
        %exp3A_681 = math.exp %mul3A_680 : vector<16xf32>
        %broadcast_in_dim3A_682 = arith.constant 40 : i32
        %broadcast_in_dim3A_683 = vector.broadcast %broadcast_in_dim3A_682 : i32 to vector<16xi32>
        tpu.vector_store_idx %arg9[%add3A_37, %broadcast_in_dim3A_683], %exp3A_681 : memref<400x129xf32, #tpu.memory_space<vmem>>[vector<16xi32>, vector<16xi32>], vector<16xf32>,
        %add3A_684 = arith.constant 40 : i32
        %add3A_685 = vector.broadcast %add3A_684 : i32 to vector<16xi32>
        %add3A_686 = arith.addi %mul3A_33, %add3A_685 : vector<16xi32>
        %gather3A_687 = tpu.vector_load_idx %arg8[%add3A_686] : memref<6500xf32, #tpu.memory_space<vmem>>[vector<16xi32>], vector<16xf32>,
        %broadcast_in_dim3A_688 = arith.constant 104 : i32
        %broadcast_in_dim3A_689 = vector.broadcast %broadcast_in_dim3A_688 : i32 to vector<16xi32>
        tpu.vector_store_idx %arg9[%add3A_37, %broadcast_in_dim3A_689], %gather3A_687 : memref<400x129xf32, #tpu.memory_space<vmem>>[vector<16xi32>, vector<16xi32>], vector<16xf32>,
        %sub3A_690 = arith.constant 13.015873 : f32
        %sub3A_691 = vector.broadcast %sub3A_690 : f32 to vector<16xf32>
        %sub3A_692 = arith.subf %get3A_28, %sub3A_691 : vector<16xf32>
        %mul3A_693 = arith.mulf %sub3A_692, %sub3A_692 : vector<16xf32>
        %mul3A_694 = arith.constant -4.961250e+00 : f32
        %mul3A_695 = vector.broadcast %mul3A_694 : f32 to vector<16xf32>
        %mul3A_696 = arith.mulf %mul3A_695, %mul3A_693 : vector<16xf32>
        %exp3A_697 = math.exp %mul3A_696 : vector<16xf32>
        %broadcast_in_dim3A_698 = arith.constant 41 : i32
        %broadcast_in_dim3A_699 = vector.broadcast %broadcast_in_dim3A_698 : i32 to vector<16xi32>
        tpu.vector_store_idx %arg9[%add3A_37, %broadcast_in_dim3A_699], %exp3A_697 : memref<400x129xf32, #tpu.memory_space<vmem>>[vector<16xi32>, vector<16xi32>], vector<16xf32>,
        %add3A_700 = arith.constant 41 : i32
        %add3A_701 = vector.broadcast %add3A_700 : i32 to vector<16xi32>
        %add3A_702 = arith.addi %mul3A_33, %add3A_701 : vector<16xi32>
        %gather3A_703 = tpu.vector_load_idx %arg8[%add3A_702] : memref<6500xf32, #tpu.memory_space<vmem>>[vector<16xi32>], vector<16xf32>,
        %broadcast_in_dim3A_704 = arith.constant 105 : i32
        %broadcast_in_dim3A_705 = vector.broadcast %broadcast_in_dim3A_704 : i32 to vector<16xi32>
        tpu.vector_store_idx %arg9[%add3A_37, %broadcast_in_dim3A_705], %gather3A_703 : memref<400x129xf32, #tpu.memory_space<vmem>>[vector<16xi32>, vector<16xi32>], vector<16xf32>,
        %sub3A_706 = arith.constant 13.333333 : f32
        %sub3A_707 = vector.broadcast %sub3A_706 : f32 to vector<16xf32>
        %sub3A_708 = arith.subf %get3A_28, %sub3A_707 : vector<16xf32>
        %mul3A_709 = arith.mulf %sub3A_708, %sub3A_708 : vector<16xf32>
        %mul3A_710 = arith.constant -4.961250e+00 : f32
        %mul3A_711 = vector.broadcast %mul3A_710 : f32 to vector<16xf32>
        %mul3A_712 = arith.mulf %mul3A_711, %mul3A_709 : vector<16xf32>
        %exp3A_713 = math.exp %mul3A_712 : vector<16xf32>
        %broadcast_in_dim3A_714 = arith.constant 42 : i32
        %broadcast_in_dim3A_715 = vector.broadcast %broadcast_in_dim3A_714 : i32 to vector<16xi32>
        tpu.vector_store_idx %arg9[%add3A_37, %broadcast_in_dim3A_715], %exp3A_713 : memref<400x129xf32, #tpu.memory_space<vmem>>[vector<16xi32>, vector<16xi32>], vector<16xf32>,
        %add3A_716 = arith.constant 42 : i32
        %add3A_717 = vector.broadcast %add3A_716 : i32 to vector<16xi32>
        %add3A_718 = arith.addi %mul3A_33, %add3A_717 : vector<16xi32>
        %gather3A_719 = tpu.vector_load_idx %arg8[%add3A_718] : memref<6500xf32, #tpu.memory_space<vmem>>[vector<16xi32>], vector<16xf32>,
        %broadcast_in_dim3A_720 = arith.constant 106 : i32
        %broadcast_in_dim3A_721 = vector.broadcast %broadcast_in_dim3A_720 : i32 to vector<16xi32>
        tpu.vector_store_idx %arg9[%add3A_37, %broadcast_in_dim3A_721], %gather3A_719 : memref<400x129xf32, #tpu.memory_space<vmem>>[vector<16xi32>, vector<16xi32>], vector<16xf32>,
        %sub3A_722 = arith.constant 13.650794 : f32
        %sub3A_723 = vector.broadcast %sub3A_722 : f32 to vector<16xf32>
        %sub3A_724 = arith.subf %get3A_28, %sub3A_723 : vector<16xf32>
        %mul3A_725 = arith.mulf %sub3A_724, %sub3A_724 : vector<16xf32>
        %mul3A_726 = arith.constant -4.961250e+00 : f32
        %mul3A_727 = vector.broadcast %mul3A_726 : f32 to vector<16xf32>
        %mul3A_728 = arith.mulf %mul3A_727, %mul3A_725 : vector<16xf32>
        %exp3A_729 = math.exp %mul3A_728 : vector<16xf32>
        %broadcast_in_dim3A_730 = arith.constant 43 : i32
        %broadcast_in_dim3A_731 = vector.broadcast %broadcast_in_dim3A_730 : i32 to vector<16xi32>
        tpu.vector_store_idx %arg9[%add3A_37, %broadcast_in_dim3A_731], %exp3A_729 : memref<400x129xf32, #tpu.memory_space<vmem>>[vector<16xi32>, vector<16xi32>], vector<16xf32>,
        %add3A_732 = arith.constant 43 : i32
        %add3A_733 = vector.broadcast %add3A_732 : i32 to vector<16xi32>
        %add3A_734 = arith.addi %mul3A_33, %add3A_733 : vector<16xi32>
        %gather3A_735 = tpu.vector_load_idx %arg8[%add3A_734] : memref<6500xf32, #tpu.memory_space<vmem>>[vector<16xi32>], vector<16xf32>,
        %broadcast_in_dim3A_736 = arith.constant 107 : i32
        %broadcast_in_dim3A_737 = vector.broadcast %broadcast_in_dim3A_736 : i32 to vector<16xi32>
        tpu.vector_store_idx %arg9[%add3A_37, %broadcast_in_dim3A_737], %gather3A_735 : memref<400x129xf32, #tpu.memory_space<vmem>>[vector<16xi32>, vector<16xi32>], vector<16xf32>,
        %sub3A_738 = arith.constant 13.9682541 : f32
        %sub3A_739 = vector.broadcast %sub3A_738 : f32 to vector<16xf32>
        %sub3A_740 = arith.subf %get3A_28, %sub3A_739 : vector<16xf32>
        %mul3A_741 = arith.mulf %sub3A_740, %sub3A_740 : vector<16xf32>
        %mul3A_742 = arith.constant -4.961250e+00 : f32
        %mul3A_743 = vector.broadcast %mul3A_742 : f32 to vector<16xf32>
        %mul3A_744 = arith.mulf %mul3A_743, %mul3A_741 : vector<16xf32>
        %exp3A_745 = math.exp %mul3A_744 : vector<16xf32>
        %broadcast_in_dim3A_746 = arith.constant 44 : i32
        %broadcast_in_dim3A_747 = vector.broadcast %broadcast_in_dim3A_746 : i32 to vector<16xi32>
        tpu.vector_store_idx %arg9[%add3A_37, %broadcast_in_dim3A_747], %exp3A_745 : memref<400x129xf32, #tpu.memory_space<vmem>>[vector<16xi32>, vector<16xi32>], vector<16xf32>,
        %add3A_748 = arith.constant 44 : i32
        %add3A_749 = vector.broadcast %add3A_748 : i32 to vector<16xi32>
        %add3A_750 = arith.addi %mul3A_33, %add3A_749 : vector<16xi32>
        %gather3A_751 = tpu.vector_load_idx %arg8[%add3A_750] : memref<6500xf32, #tpu.memory_space<vmem>>[vector<16xi32>], vector<16xf32>,
        %broadcast_in_dim3A_752 = arith.constant 108 : i32
        %broadcast_in_dim3A_753 = vector.broadcast %broadcast_in_dim3A_752 : i32 to vector<16xi32>
        tpu.vector_store_idx %arg9[%add3A_37, %broadcast_in_dim3A_753], %gather3A_751 : memref<400x129xf32, #tpu.memory_space<vmem>>[vector<16xi32>, vector<16xi32>], vector<16xf32>,
        %sub3A_754 = arith.constant 14.2857141 : f32
        %sub3A_755 = vector.broadcast %sub3A_754 : f32 to vector<16xf32>
        %sub3A_756 = arith.subf %get3A_28, %sub3A_755 : vector<16xf32>
        %mul3A_757 = arith.mulf %sub3A_756, %sub3A_756 : vector<16xf32>
        %mul3A_758 = arith.constant -4.961250e+00 : f32
        %mul3A_759 = vector.broadcast %mul3A_758 : f32 to vector<16xf32>
        %mul3A_760 = arith.mulf %mul3A_759, %mul3A_757 : vector<16xf32>
        %exp3A_761 = math.exp %mul3A_760 : vector<16xf32>
        %broadcast_in_dim3A_762 = arith.constant 45 : i32
        %broadcast_in_dim3A_763 = vector.broadcast %broadcast_in_dim3A_762 : i32 to vector<16xi32>
        tpu.vector_store_idx %arg9[%add3A_37, %broadcast_in_dim3A_763], %exp3A_761 : memref<400x129xf32, #tpu.memory_space<vmem>>[vector<16xi32>, vector<16xi32>], vector<16xf32>,
        %add3A_764 = arith.constant 45 : i32
        %add3A_765 = vector.broadcast %add3A_764 : i32 to vector<16xi32>
        %add3A_766 = arith.addi %mul3A_33, %add3A_765 : vector<16xi32>
        %gather3A_767 = tpu.vector_load_idx %arg8[%add3A_766] : memref<6500xf32, #tpu.memory_space<vmem>>[vector<16xi32>], vector<16xf32>,
        %broadcast_in_dim3A_768 = arith.constant 109 : i32
        %broadcast_in_dim3A_769 = vector.broadcast %broadcast_in_dim3A_768 : i32 to vector<16xi32>
        tpu.vector_store_idx %arg9[%add3A_37, %broadcast_in_dim3A_769], %gather3A_767 : memref<400x129xf32, #tpu.memory_space<vmem>>[vector<16xi32>, vector<16xi32>], vector<16xf32>,
        %sub3A_770 = arith.constant 14.6031742 : f32
        %sub3A_771 = vector.broadcast %sub3A_770 : f32 to vector<16xf32>
        %sub3A_772 = arith.subf %get3A_28, %sub3A_771 : vector<16xf32>
        %mul3A_773 = arith.mulf %sub3A_772, %sub3A_772 : vector<16xf32>
        %mul3A_774 = arith.constant -4.961250e+00 : f32
        %mul3A_775 = vector.broadcast %mul3A_774 : f32 to vector<16xf32>
        %mul3A_776 = arith.mulf %mul3A_775, %mul3A_773 : vector<16xf32>
        %exp3A_777 = math.exp %mul3A_776 : vector<16xf32>
        %broadcast_in_dim3A_778 = arith.constant 46 : i32
        %broadcast_in_dim3A_779 = vector.broadcast %broadcast_in_dim3A_778 : i32 to vector<16xi32>
        tpu.vector_store_idx %arg9[%add3A_37, %broadcast_in_dim3A_779], %exp3A_777 : memref<400x129xf32, #tpu.memory_space<vmem>>[vector<16xi32>, vector<16xi32>], vector<16xf32>,
        %add3A_780 = arith.constant 46 : i32
        %add3A_781 = vector.broadcast %add3A_780 : i32 to vector<16xi32>
        %add3A_782 = arith.addi %mul3A_33, %add3A_781 : vector<16xi32>
        %gather3A_783 = tpu.vector_load_idx %arg8[%add3A_782] : memref<6500xf32, #tpu.memory_space<vmem>>[vector<16xi32>], vector<16xf32>,
        %broadcast_in_dim3A_784 = arith.constant 110 : i32
        %broadcast_in_dim3A_785 = vector.broadcast %broadcast_in_dim3A_784 : i32 to vector<16xi32>
        tpu.vector_store_idx %arg9[%add3A_37, %broadcast_in_dim3A_785], %gather3A_783 : memref<400x129xf32, #tpu.memory_space<vmem>>[vector<16xi32>, vector<16xi32>], vector<16xf32>,
        %sub3A_786 = arith.constant 14.9206352 : f32
        %sub3A_787 = vector.broadcast %sub3A_786 : f32 to vector<16xf32>
        %sub3A_788 = arith.subf %get3A_28, %sub3A_787 : vector<16xf32>
        %mul3A_789 = arith.mulf %sub3A_788, %sub3A_788 : vector<16xf32>
        %mul3A_790 = arith.constant -4.961250e+00 : f32
        %mul3A_791 = vector.broadcast %mul3A_790 : f32 to vector<16xf32>
        %mul3A_792 = arith.mulf %mul3A_791, %mul3A_789 : vector<16xf32>
        %exp3A_793 = math.exp %mul3A_792 : vector<16xf32>
        %broadcast_in_dim3A_794 = arith.constant 47 : i32
        %broadcast_in_dim3A_795 = vector.broadcast %broadcast_in_dim3A_794 : i32 to vector<16xi32>
        tpu.vector_store_idx %arg9[%add3A_37, %broadcast_in_dim3A_795], %exp3A_793 : memref<400x129xf32, #tpu.memory_space<vmem>>[vector<16xi32>, vector<16xi32>], vector<16xf32>,
        %add3A_796 = arith.constant 47 : i32
        %add3A_797 = vector.broadcast %add3A_796 : i32 to vector<16xi32>
        %add3A_798 = arith.addi %mul3A_33, %add3A_797 : vector<16xi32>
        %gather3A_799 = tpu.vector_load_idx %arg8[%add3A_798] : memref<6500xf32, #tpu.memory_space<vmem>>[vector<16xi32>], vector<16xf32>,
        %broadcast_in_dim3A_800 = arith.constant 111 : i32
        %broadcast_in_dim3A_801 = vector.broadcast %broadcast_in_dim3A_800 : i32 to vector<16xi32>
        tpu.vector_store_idx %arg9[%add3A_37, %broadcast_in_dim3A_801], %gather3A_799 : memref<400x129xf32, #tpu.memory_space<vmem>>[vector<16xi32>, vector<16xi32>], vector<16xf32>,
        %sub3A_802 = arith.constant 15.2380953 : f32
        %sub3A_803 = vector.broadcast %sub3A_802 : f32 to vector<16xf32>
        %sub3A_804 = arith.subf %get3A_28, %sub3A_803 : vector<16xf32>
        %mul3A_805 = arith.mulf %sub3A_804, %sub3A_804 : vector<16xf32>
        %mul3A_806 = arith.constant -4.961250e+00 : f32
        %mul3A_807 = vector.broadcast %mul3A_806 : f32 to vector<16xf32>
        %mul3A_808 = arith.mulf %mul3A_807, %mul3A_805 : vector<16xf32>
        %exp3A_809 = math.exp %mul3A_808 : vector<16xf32>
        %broadcast_in_dim3A_810 = arith.constant 48 : i32
        %broadcast_in_dim3A_811 = vector.broadcast %broadcast_in_dim3A_810 : i32 to vector<16xi32>
        tpu.vector_store_idx %arg9[%add3A_37, %broadcast_in_dim3A_811], %exp3A_809 : memref<400x129xf32, #tpu.memory_space<vmem>>[vector<16xi32>, vector<16xi32>], vector<16xf32>,
        %add3A_812 = arith.constant 48 : i32
        %add3A_813 = vector.broadcast %add3A_812 : i32 to vector<16xi32>
        %add3A_814 = arith.addi %mul3A_33, %add3A_813 : vector<16xi32>
        %gather3A_815 = tpu.vector_load_idx %arg8[%add3A_814] : memref<6500xf32, #tpu.memory_space<vmem>>[vector<16xi32>], vector<16xf32>,
        %broadcast_in_dim3A_816 = arith.constant 112 : i32
        %broadcast_in_dim3A_817 = vector.broadcast %broadcast_in_dim3A_816 : i32 to vector<16xi32>
        tpu.vector_store_idx %arg9[%add3A_37, %broadcast_in_dim3A_817], %gather3A_815 : memref<400x129xf32, #tpu.memory_space<vmem>>[vector<16xi32>, vector<16xi32>], vector<16xf32>,
        %sub3A_818 = arith.constant 15.5555553 : f32
        %sub3A_819 = vector.broadcast %sub3A_818 : f32 to vector<16xf32>
        %sub3A_820 = arith.subf %get3A_28, %sub3A_819 : vector<16xf32>
        %mul3A_821 = arith.mulf %sub3A_820, %sub3A_820 : vector<16xf32>
        %mul3A_822 = arith.constant -4.961250e+00 : f32
        %mul3A_823 = vector.broadcast %mul3A_822 : f32 to vector<16xf32>
        %mul3A_824 = arith.mulf %mul3A_823, %mul3A_821 : vector<16xf32>
        %exp3A_825 = math.exp %mul3A_824 : vector<16xf32>
        %broadcast_in_dim3A_826 = arith.constant 49 : i32
        %broadcast_in_dim3A_827 = vector.broadcast %broadcast_in_dim3A_826 : i32 to vector<16xi32>
        tpu.vector_store_idx %arg9[%add3A_37, %broadcast_in_dim3A_827], %exp3A_825 : memref<400x129xf32, #tpu.memory_space<vmem>>[vector<16xi32>, vector<16xi32>], vector<16xf32>,
        %add3A_828 = arith.constant 49 : i32
        %add3A_829 = vector.broadcast %add3A_828 : i32 to vector<16xi32>
        %add3A_830 = arith.addi %mul3A_33, %add3A_829 : vector<16xi32>
        %gather3A_831 = tpu.vector_load_idx %arg8[%add3A_830] : memref<6500xf32, #tpu.memory_space<vmem>>[vector<16xi32>], vector<16xf32>,
        %broadcast_in_dim3A_832 = arith.constant 113 : i32
        %broadcast_in_dim3A_833 = vector.broadcast %broadcast_in_dim3A_832 : i32 to vector<16xi32>
        tpu.vector_store_idx %arg9[%add3A_37, %broadcast_in_dim3A_833], %gather3A_831 : memref<400x129xf32, #tpu.memory_space<vmem>>[vector<16xi32>, vector<16xi32>], vector<16xf32>,
        %sub3A_834 = arith.constant 15.8730154 : f32
        %sub3A_835 = vector.broadcast %sub3A_834 : f32 to vector<16xf32>
        %sub3A_836 = arith.subf %get3A_28, %sub3A_835 : vector<16xf32>
        %mul3A_837 = arith.mulf %sub3A_836, %sub3A_836 : vector<16xf32>
        %mul3A_838 = arith.constant -4.961250e+00 : f32
        %mul3A_839 = vector.broadcast %mul3A_838 : f32 to vector<16xf32>
        %mul3A_840 = arith.mulf %mul3A_839, %mul3A_837 : vector<16xf32>
        %exp3A_841 = math.exp %mul3A_840 : vector<16xf32>
        %broadcast_in_dim3A_842 = arith.constant 50 : i32
        %broadcast_in_dim3A_843 = vector.broadcast %broadcast_in_dim3A_842 : i32 to vector<16xi32>
        tpu.vector_store_idx %arg9[%add3A_37, %broadcast_in_dim3A_843], %exp3A_841 : memref<400x129xf32, #tpu.memory_space<vmem>>[vector<16xi32>, vector<16xi32>], vector<16xf32>,
        %add3A_844 = arith.constant 50 : i32
        %add3A_845 = vector.broadcast %add3A_844 : i32 to vector<16xi32>
        %add3A_846 = arith.addi %mul3A_33, %add3A_845 : vector<16xi32>
        %gather3A_847 = tpu.vector_load_idx %arg8[%add3A_846] : memref<6500xf32, #tpu.memory_space<vmem>>[vector<16xi32>], vector<16xf32>,
        %broadcast_in_dim3A_848 = arith.constant 114 : i32
        %broadcast_in_dim3A_849 = vector.broadcast %broadcast_in_dim3A_848 : i32 to vector<16xi32>
        tpu.vector_store_idx %arg9[%add3A_37, %broadcast_in_dim3A_849], %gather3A_847 : memref<400x129xf32, #tpu.memory_space<vmem>>[vector<16xi32>, vector<16xi32>], vector<16xf32>,
        %sub3A_850 = arith.constant 16.1904755 : f32
        %sub3A_851 = vector.broadcast %sub3A_850 : f32 to vector<16xf32>
        %sub3A_852 = arith.subf %get3A_28, %sub3A_851 : vector<16xf32>
        %mul3A_853 = arith.mulf %sub3A_852, %sub3A_852 : vector<16xf32>
        %mul3A_854 = arith.constant -4.961250e+00 : f32
        %mul3A_855 = vector.broadcast %mul3A_854 : f32 to vector<16xf32>
        %mul3A_856 = arith.mulf %mul3A_855, %mul3A_853 : vector<16xf32>
        %exp3A_857 = math.exp %mul3A_856 : vector<16xf32>
        %broadcast_in_dim3A_858 = arith.constant 51 : i32
        %broadcast_in_dim3A_859 = vector.broadcast %broadcast_in_dim3A_858 : i32 to vector<16xi32>
        tpu.vector_store_idx %arg9[%add3A_37, %broadcast_in_dim3A_859], %exp3A_857 : memref<400x129xf32, #tpu.memory_space<vmem>>[vector<16xi32>, vector<16xi32>], vector<16xf32>,
        %add3A_860 = arith.constant 51 : i32
        %add3A_861 = vector.broadcast %add3A_860 : i32 to vector<16xi32>
        %add3A_862 = arith.addi %mul3A_33, %add3A_861 : vector<16xi32>
        %gather3A_863 = tpu.vector_load_idx %arg8[%add3A_862] : memref<6500xf32, #tpu.memory_space<vmem>>[vector<16xi32>], vector<16xf32>,
        %broadcast_in_dim3A_864 = arith.constant 115 : i32
        %broadcast_in_dim3A_865 = vector.broadcast %broadcast_in_dim3A_864 : i32 to vector<16xi32>
        tpu.vector_store_idx %arg9[%add3A_37, %broadcast_in_dim3A_865], %gather3A_863 : memref<400x129xf32, #tpu.memory_space<vmem>>[vector<16xi32>, vector<16xi32>], vector<16xf32>,
        %sub3A_866 = arith.constant 16.5079365 : f32
        %sub3A_867 = vector.broadcast %sub3A_866 : f32 to vector<16xf32>
        %sub3A_868 = arith.subf %get3A_28, %sub3A_867 : vector<16xf32>
        %mul3A_869 = arith.mulf %sub3A_868, %sub3A_868 : vector<16xf32>
        %mul3A_870 = arith.constant -4.961250e+00 : f32
        %mul3A_871 = vector.broadcast %mul3A_870 : f32 to vector<16xf32>
        %mul3A_872 = arith.mulf %mul3A_871, %mul3A_869 : vector<16xf32>
        %exp3A_873 = math.exp %mul3A_872 : vector<16xf32>
        %broadcast_in_dim3A_874 = arith.constant 52 : i32
        %broadcast_in_dim3A_875 = vector.broadcast %broadcast_in_dim3A_874 : i32 to vector<16xi32>
        tpu.vector_store_idx %arg9[%add3A_37, %broadcast_in_dim3A_875], %exp3A_873 : memref<400x129xf32, #tpu.memory_space<vmem>>[vector<16xi32>, vector<16xi32>], vector<16xf32>,
        %add3A_876 = arith.constant 52 : i32
        %add3A_877 = vector.broadcast %add3A_876 : i32 to vector<16xi32>
        %add3A_878 = arith.addi %mul3A_33, %add3A_877 : vector<16xi32>
        %gather3A_879 = tpu.vector_load_idx %arg8[%add3A_878] : memref<6500xf32, #tpu.memory_space<vmem>>[vector<16xi32>], vector<16xf32>,
        %broadcast_in_dim3A_880 = arith.constant 116 : i32
        %broadcast_in_dim3A_881 = vector.broadcast %broadcast_in_dim3A_880 : i32 to vector<16xi32>
        tpu.vector_store_idx %arg9[%add3A_37, %broadcast_in_dim3A_881], %gather3A_879 : memref<400x129xf32, #tpu.memory_space<vmem>>[vector<16xi32>, vector<16xi32>], vector<16xf32>,
        %sub3A_882 = arith.constant 16.8253975 : f32
        %sub3A_883 = vector.broadcast %sub3A_882 : f32 to vector<16xf32>
        %sub3A_884 = arith.subf %get3A_28, %sub3A_883 : vector<16xf32>
        %mul3A_885 = arith.mulf %sub3A_884, %sub3A_884 : vector<16xf32>
        %mul3A_886 = arith.constant -4.961250e+00 : f32
        %mul3A_887 = vector.broadcast %mul3A_886 : f32 to vector<16xf32>
        %mul3A_888 = arith.mulf %mul3A_887, %mul3A_885 : vector<16xf32>
        %exp3A_889 = math.exp %mul3A_888 : vector<16xf32>
        %broadcast_in_dim3A_890 = arith.constant 53 : i32
        %broadcast_in_dim3A_891 = vector.broadcast %broadcast_in_dim3A_890 : i32 to vector<16xi32>
        tpu.vector_store_idx %arg9[%add3A_37, %broadcast_in_dim3A_891], %exp3A_889 : memref<400x129xf32, #tpu.memory_space<vmem>>[vector<16xi32>, vector<16xi32>], vector<16xf32>,
        %add3A_892 = arith.constant 53 : i32
        %add3A_893 = vector.broadcast %add3A_892 : i32 to vector<16xi32>
        %add3A_894 = arith.addi %mul3A_33, %add3A_893 : vector<16xi32>
        %gather3A_895 = tpu.vector_load_idx %arg8[%add3A_894] : memref<6500xf32, #tpu.memory_space<vmem>>[vector<16xi32>], vector<16xf32>,
        %broadcast_in_dim3A_896 = arith.constant 117 : i32
        %broadcast_in_dim3A_897 = vector.broadcast %broadcast_in_dim3A_896 : i32 to vector<16xi32>
        tpu.vector_store_idx %arg9[%add3A_37, %broadcast_in_dim3A_897], %gather3A_895 : memref<400x129xf32, #tpu.memory_space<vmem>>[vector<16xi32>, vector<16xi32>], vector<16xf32>,
        %sub3A_898 = arith.constant 17.1428566 : f32
        %sub3A_899 = vector.broadcast %sub3A_898 : f32 to vector<16xf32>
        %sub3A_900 = arith.subf %get3A_28, %sub3A_899 : vector<16xf32>
        %mul3A_901 = arith.mulf %sub3A_900, %sub3A_900 : vector<16xf32>
        %mul3A_902 = arith.constant -4.961250e+00 : f32
        %mul3A_903 = vector.broadcast %mul3A_902 : f32 to vector<16xf32>
        %mul3A_904 = arith.mulf %mul3A_903, %mul3A_901 : vector<16xf32>
        %exp3A_905 = math.exp %mul3A_904 : vector<16xf32>
        %broadcast_in_dim3A_906 = arith.constant 54 : i32
        %broadcast_in_dim3A_907 = vector.broadcast %broadcast_in_dim3A_906 : i32 to vector<16xi32>
        tpu.vector_store_idx %arg9[%add3A_37, %broadcast_in_dim3A_907], %exp3A_905 : memref<400x129xf32, #tpu.memory_space<vmem>>[vector<16xi32>, vector<16xi32>], vector<16xf32>,
        %add3A_908 = arith.constant 54 : i32
        %add3A_909 = vector.broadcast %add3A_908 : i32 to vector<16xi32>
        %add3A_910 = arith.addi %mul3A_33, %add3A_909 : vector<16xi32>
        %gather3A_911 = tpu.vector_load_idx %arg8[%add3A_910] : memref<6500xf32, #tpu.memory_space<vmem>>[vector<16xi32>], vector<16xf32>,
        %broadcast_in_dim3A_912 = arith.constant 118 : i32
        %broadcast_in_dim3A_913 = vector.broadcast %broadcast_in_dim3A_912 : i32 to vector<16xi32>
        tpu.vector_store_idx %arg9[%add3A_37, %broadcast_in_dim3A_913], %gather3A_911 : memref<400x129xf32, #tpu.memory_space<vmem>>[vector<16xi32>, vector<16xi32>], vector<16xf32>,
        %sub3A_914 = arith.constant 17.4603176 : f32
        %sub3A_915 = vector.broadcast %sub3A_914 : f32 to vector<16xf32>
        %sub3A_916 = arith.subf %get3A_28, %sub3A_915 : vector<16xf32>
        %mul3A_917 = arith.mulf %sub3A_916, %sub3A_916 : vector<16xf32>
        %mul3A_918 = arith.constant -4.961250e+00 : f32
        %mul3A_919 = vector.broadcast %mul3A_918 : f32 to vector<16xf32>
        %mul3A_920 = arith.mulf %mul3A_919, %mul3A_917 : vector<16xf32>
        %exp3A_921 = math.exp %mul3A_920 : vector<16xf32>
        %broadcast_in_dim3A_922 = arith.constant 55 : i32
        %broadcast_in_dim3A_923 = vector.broadcast %broadcast_in_dim3A_922 : i32 to vector<16xi32>
        tpu.vector_store_idx %arg9[%add3A_37, %broadcast_in_dim3A_923], %exp3A_921 : memref<400x129xf32, #tpu.memory_space<vmem>>[vector<16xi32>, vector<16xi32>], vector<16xf32>,
        %add3A_924 = arith.constant 55 : i32
        %add3A_925 = vector.broadcast %add3A_924 : i32 to vector<16xi32>
        %add3A_926 = arith.addi %mul3A_33, %add3A_925 : vector<16xi32>
        %gather3A_927 = tpu.vector_load_idx %arg8[%add3A_926] : memref<6500xf32, #tpu.memory_space<vmem>>[vector<16xi32>], vector<16xf32>,
        %broadcast_in_dim3A_928 = arith.constant 119 : i32
        %broadcast_in_dim3A_929 = vector.broadcast %broadcast_in_dim3A_928 : i32 to vector<16xi32>
        tpu.vector_store_idx %arg9[%add3A_37, %broadcast_in_dim3A_929], %gather3A_927 : memref<400x129xf32, #tpu.memory_space<vmem>>[vector<16xi32>, vector<16xi32>], vector<16xf32>,
        %sub3A_930 = arith.constant 17.7777786 : f32
        %sub3A_931 = vector.broadcast %sub3A_930 : f32 to vector<16xf32>
        %sub3A_932 = arith.subf %get3A_28, %sub3A_931 : vector<16xf32>
        %mul3A_933 = arith.mulf %sub3A_932, %sub3A_932 : vector<16xf32>
        %mul3A_934 = arith.constant -4.961250e+00 : f32
        %mul3A_935 = vector.broadcast %mul3A_934 : f32 to vector<16xf32>
        %mul3A_936 = arith.mulf %mul3A_935, %mul3A_933 : vector<16xf32>
        %exp3A_937 = math.exp %mul3A_936 : vector<16xf32>
        %broadcast_in_dim3A_938 = arith.constant 56 : i32
        %broadcast_in_dim3A_939 = vector.broadcast %broadcast_in_dim3A_938 : i32 to vector<16xi32>
        tpu.vector_store_idx %arg9[%add3A_37, %broadcast_in_dim3A_939], %exp3A_937 : memref<400x129xf32, #tpu.memory_space<vmem>>[vector<16xi32>, vector<16xi32>], vector<16xf32>,
        %add3A_940 = arith.constant 56 : i32
        %add3A_941 = vector.broadcast %add3A_940 : i32 to vector<16xi32>
        %add3A_942 = arith.addi %mul3A_33, %add3A_941 : vector<16xi32>
        %gather3A_943 = tpu.vector_load_idx %arg8[%add3A_942] : memref<6500xf32, #tpu.memory_space<vmem>>[vector<16xi32>], vector<16xf32>,
        %broadcast_in_dim3A_944 = arith.constant 120 : i32
        %broadcast_in_dim3A_945 = vector.broadcast %broadcast_in_dim3A_944 : i32 to vector<16xi32>
        tpu.vector_store_idx %arg9[%add3A_37, %broadcast_in_dim3A_945], %gather3A_943 : memref<400x129xf32, #tpu.memory_space<vmem>>[vector<16xi32>, vector<16xi32>], vector<16xf32>,
        %sub3A_946 = arith.constant 18.0952377 : f32
        %sub3A_947 = vector.broadcast %sub3A_946 : f32 to vector<16xf32>
        %sub3A_948 = arith.subf %get3A_28, %sub3A_947 : vector<16xf32>
        %mul3A_949 = arith.mulf %sub3A_948, %sub3A_948 : vector<16xf32>
        %mul3A_950 = arith.constant -4.961250e+00 : f32
        %mul3A_951 = vector.broadcast %mul3A_950 : f32 to vector<16xf32>
        %mul3A_952 = arith.mulf %mul3A_951, %mul3A_949 : vector<16xf32>
        %exp3A_953 = math.exp %mul3A_952 : vector<16xf32>
        %broadcast_in_dim3A_954 = arith.constant 57 : i32
        %broadcast_in_dim3A_955 = vector.broadcast %broadcast_in_dim3A_954 : i32 to vector<16xi32>
        tpu.vector_store_idx %arg9[%add3A_37, %broadcast_in_dim3A_955], %exp3A_953 : memref<400x129xf32, #tpu.memory_space<vmem>>[vector<16xi32>, vector<16xi32>], vector<16xf32>,
        %add3A_956 = arith.constant 57 : i32
        %add3A_957 = vector.broadcast %add3A_956 : i32 to vector<16xi32>
        %add3A_958 = arith.addi %mul3A_33, %add3A_957 : vector<16xi32>
        %gather3A_959 = tpu.vector_load_idx %arg8[%add3A_958] : memref<6500xf32, #tpu.memory_space<vmem>>[vector<16xi32>], vector<16xf32>,
        %broadcast_in_dim3A_960 = arith.constant 121 : i32
        %broadcast_in_dim3A_961 = vector.broadcast %broadcast_in_dim3A_960 : i32 to vector<16xi32>
        tpu.vector_store_idx %arg9[%add3A_37, %broadcast_in_dim3A_961], %gather3A_959 : memref<400x129xf32, #tpu.memory_space<vmem>>[vector<16xi32>, vector<16xi32>], vector<16xf32>,
        %sub3A_962 = arith.constant 18.4126987 : f32
        %sub3A_963 = vector.broadcast %sub3A_962 : f32 to vector<16xf32>
        %sub3A_964 = arith.subf %get3A_28, %sub3A_963 : vector<16xf32>
        %mul3A_965 = arith.mulf %sub3A_964, %sub3A_964 : vector<16xf32>
        %mul3A_966 = arith.constant -4.961250e+00 : f32
        %mul3A_967 = vector.broadcast %mul3A_966 : f32 to vector<16xf32>
        %mul3A_968 = arith.mulf %mul3A_967, %mul3A_965 : vector<16xf32>
        %exp3A_969 = math.exp %mul3A_968 : vector<16xf32>
        %broadcast_in_dim3A_970 = arith.constant 58 : i32
        %broadcast_in_dim3A_971 = vector.broadcast %broadcast_in_dim3A_970 : i32 to vector<16xi32>
        tpu.vector_store_idx %arg9[%add3A_37, %broadcast_in_dim3A_971], %exp3A_969 : memref<400x129xf32, #tpu.memory_space<vmem>>[vector<16xi32>, vector<16xi32>], vector<16xf32>,
        %add3A_972 = arith.constant 58 : i32
        %add3A_973 = vector.broadcast %add3A_972 : i32 to vector<16xi32>
        %add3A_974 = arith.addi %mul3A_33, %add3A_973 : vector<16xi32>
        %gather3A_975 = tpu.vector_load_idx %arg8[%add3A_974] : memref<6500xf32, #tpu.memory_space<vmem>>[vector<16xi32>], vector<16xf32>,
        %broadcast_in_dim3A_976 = arith.constant 122 : i32
        %broadcast_in_dim3A_977 = vector.broadcast %broadcast_in_dim3A_976 : i32 to vector<16xi32>
        tpu.vector_store_idx %arg9[%add3A_37, %broadcast_in_dim3A_977], %gather3A_975 : memref<400x129xf32, #tpu.memory_space<vmem>>[vector<16xi32>, vector<16xi32>], vector<16xf32>,
        %sub3A_978 = arith.constant 18.7301579 : f32
        %sub3A_979 = vector.broadcast %sub3A_978 : f32 to vector<16xf32>
        %sub3A_980 = arith.subf %get3A_28, %sub3A_979 : vector<16xf32>
        %mul3A_981 = arith.mulf %sub3A_980, %sub3A_980 : vector<16xf32>
        %mul3A_982 = arith.constant -4.961250e+00 : f32
        %mul3A_983 = vector.broadcast %mul3A_982 : f32 to vector<16xf32>
        %mul3A_984 = arith.mulf %mul3A_983, %mul3A_981 : vector<16xf32>
        %exp3A_985 = math.exp %mul3A_984 : vector<16xf32>
        %broadcast_in_dim3A_986 = arith.constant 59 : i32
        %broadcast_in_dim3A_987 = vector.broadcast %broadcast_in_dim3A_986 : i32 to vector<16xi32>
        tpu.vector_store_idx %arg9[%add3A_37, %broadcast_in_dim3A_987], %exp3A_985 : memref<400x129xf32, #tpu.memory_space<vmem>>[vector<16xi32>, vector<16xi32>], vector<16xf32>,
        %add3A_988 = arith.constant 59 : i32
        %add3A_989 = vector.broadcast %add3A_988 : i32 to vector<16xi32>
        %add3A_990 = arith.addi %mul3A_33, %add3A_989 : vector<16xi32>
        %gather3A_991 = tpu.vector_load_idx %arg8[%add3A_990] : memref<6500xf32, #tpu.memory_space<vmem>>[vector<16xi32>], vector<16xf32>,
        %broadcast_in_dim3A_992 = arith.constant 123 : i32
        %broadcast_in_dim3A_993 = vector.broadcast %broadcast_in_dim3A_992 : i32 to vector<16xi32>
        tpu.vector_store_idx %arg9[%add3A_37, %broadcast_in_dim3A_993], %gather3A_991 : memref<400x129xf32, #tpu.memory_space<vmem>>[vector<16xi32>, vector<16xi32>], vector<16xf32>,
        %sub3A_994 = arith.constant 19.0476189 : f32
        %sub3A_995 = vector.broadcast %sub3A_994 : f32 to vector<16xf32>
        %sub3A_996 = arith.subf %get3A_28, %sub3A_995 : vector<16xf32>
        %mul3A_997 = arith.mulf %sub3A_996, %sub3A_996 : vector<16xf32>
        %mul3A_998 = arith.constant -4.961250e+00 : f32
        %mul3A_999 = vector.broadcast %mul3A_998 : f32 to vector<16xf32>
        %mul3A_1000 = arith.mulf %mul3A_999, %mul3A_997 : vector<16xf32>
        %exp3A_1001 = math.exp %mul3A_1000 : vector<16xf32>
        %broadcast_in_dim3A_1002 = arith.constant 60 : i32
        %broadcast_in_dim3A_1003 = vector.broadcast %broadcast_in_dim3A_1002 : i32 to vector<16xi32>
        tpu.vector_store_idx %arg9[%add3A_37, %broadcast_in_dim3A_1003], %exp3A_1001 : memref<400x129xf32, #tpu.memory_space<vmem>>[vector<16xi32>, vector<16xi32>], vector<16xf32>,
        %add3A_1004 = arith.constant 60 : i32
        %add3A_1005 = vector.broadcast %add3A_1004 : i32 to vector<16xi32>
        %add3A_1006 = arith.addi %mul3A_33, %add3A_1005 : vector<16xi32>
        %gather3A_1007 = tpu.vector_load_idx %arg8[%add3A_1006] : memref<6500xf32, #tpu.memory_space<vmem>>[vector<16xi32>], vector<16xf32>,
        %broadcast_in_dim3A_1008 = arith.constant 124 : i32
        %broadcast_in_dim3A_1009 = vector.broadcast %broadcast_in_dim3A_1008 : i32 to vector<16xi32>
        tpu.vector_store_idx %arg9[%add3A_37, %broadcast_in_dim3A_1009], %gather3A_1007 : memref<400x129xf32, #tpu.memory_space<vmem>>[vector<16xi32>, vector<16xi32>], vector<16xf32>,
        %sub3A_1010 = arith.constant 19.3650799 : f32
        %sub3A_1011 = vector.broadcast %sub3A_1010 : f32 to vector<16xf32>
        %sub3A_1012 = arith.subf %get3A_28, %sub3A_1011 : vector<16xf32>
        %mul3A_1013 = arith.mulf %sub3A_1012, %sub3A_1012 : vector<16xf32>
        %mul3A_1014 = arith.constant -4.961250e+00 : f32
        %mul3A_1015 = vector.broadcast %mul3A_1014 : f32 to vector<16xf32>
        %mul3A_1016 = arith.mulf %mul3A_1015, %mul3A_1013 : vector<16xf32>
        %exp3A_1017 = math.exp %mul3A_1016 : vector<16xf32>
        %broadcast_in_dim3A_1018 = arith.constant 61 : i32
        %broadcast_in_dim3A_1019 = vector.broadcast %broadcast_in_dim3A_1018 : i32 to vector<16xi32>
        tpu.vector_store_idx %arg9[%add3A_37, %broadcast_in_dim3A_1019], %exp3A_1017 : memref<400x129xf32, #tpu.memory_space<vmem>>[vector<16xi32>, vector<16xi32>], vector<16xf32>,
        %add3A_1020 = arith.constant 61 : i32
        %add3A_1021 = vector.broadcast %add3A_1020 : i32 to vector<16xi32>
        %add3A_1022 = arith.addi %mul3A_33, %add3A_1021 : vector<16xi32>
        %gather3A_1023 = tpu.vector_load_idx %arg8[%add3A_1022] : memref<6500xf32, #tpu.memory_space<vmem>>[vector<16xi32>], vector<16xf32>,
        %broadcast_in_dim3A_1024 = arith.constant 125 : i32
        %broadcast_in_dim3A_1025 = vector.broadcast %broadcast_in_dim3A_1024 : i32 to vector<16xi32>
        tpu.vector_store_idx %arg9[%add3A_37, %broadcast_in_dim3A_1025], %gather3A_1023 : memref<400x129xf32, #tpu.memory_space<vmem>>[vector<16xi32>, vector<16xi32>], vector<16xf32>,
        %sub3A_1026 = arith.constant 19.682539 : f32
        %sub3A_1027 = vector.broadcast %sub3A_1026 : f32 to vector<16xf32>
        %sub3A_1028 = arith.subf %get3A_28, %sub3A_1027 : vector<16xf32>
        %mul3A_1029 = arith.mulf %sub3A_1028, %sub3A_1028 : vector<16xf32>
        %mul3A_1030 = arith.constant -4.961250e+00 : f32
        %mul3A_1031 = vector.broadcast %mul3A_1030 : f32 to vector<16xf32>
        %mul3A_1032 = arith.mulf %mul3A_1031, %mul3A_1029 : vector<16xf32>
        %exp3A_1033 = math.exp %mul3A_1032 : vector<16xf32>
        %broadcast_in_dim3A_1034 = arith.constant 62 : i32
        %broadcast_in_dim3A_1035 = vector.broadcast %broadcast_in_dim3A_1034 : i32 to vector<16xi32>
        tpu.vector_store_idx %arg9[%add3A_37, %broadcast_in_dim3A_1035], %exp3A_1033 : memref<400x129xf32, #tpu.memory_space<vmem>>[vector<16xi32>, vector<16xi32>], vector<16xf32>,
        %add3A_1036 = arith.constant 62 : i32
        %add3A_1037 = vector.broadcast %add3A_1036 : i32 to vector<16xi32>
        %add3A_1038 = arith.addi %mul3A_33, %add3A_1037 : vector<16xi32>
        %gather3A_1039 = tpu.vector_load_idx %arg8[%add3A_1038] : memref<6500xf32, #tpu.memory_space<vmem>>[vector<16xi32>], vector<16xf32>,
        %broadcast_in_dim3A_1040 = arith.constant 126 : i32
        %broadcast_in_dim3A_1041 = vector.broadcast %broadcast_in_dim3A_1040 : i32 to vector<16xi32>
        tpu.vector_store_idx %arg9[%add3A_37, %broadcast_in_dim3A_1041], %gather3A_1039 : memref<400x129xf32, #tpu.memory_space<vmem>>[vector<16xi32>, vector<16xi32>], vector<16xf32>,
        %sub3A_1042 = arith.constant 2.000000e+01 : f32
        %sub3A_1043 = vector.broadcast %sub3A_1042 : f32 to vector<16xf32>
        %sub3A_1044 = arith.subf %get3A_28, %sub3A_1043 : vector<16xf32>
        %mul3A_1045 = arith.mulf %sub3A_1044, %sub3A_1044 : vector<16xf32>
        %mul3A_1046 = arith.constant -4.961250e+00 : f32
        %mul3A_1047 = vector.broadcast %mul3A_1046 : f32 to vector<16xf32>
        %mul3A_1048 = arith.mulf %mul3A_1047, %mul3A_1045 : vector<16xf32>
        %exp3A_1049 = math.exp %mul3A_1048 : vector<16xf32>
        %broadcast_in_dim3A_1050 = arith.constant 63 : i32
        %broadcast_in_dim3A_1051 = vector.broadcast %broadcast_in_dim3A_1050 : i32 to vector<16xi32>
        tpu.vector_store_idx %arg9[%add3A_37, %broadcast_in_dim3A_1051], %exp3A_1049 : memref<400x129xf32, #tpu.memory_space<vmem>>[vector<16xi32>, vector<16xi32>], vector<16xf32>,
        %add3A_1052 = arith.constant 63 : i32
        %add3A_1053 = vector.broadcast %add3A_1052 : i32 to vector<16xi32>
        %add3A_1054 = arith.addi %mul3A_33, %add3A_1053 : vector<16xi32>
        %gather3A_1055 = tpu.vector_load_idx %arg8[%add3A_1054] : memref<6500xf32, #tpu.memory_space<vmem>>[vector<16xi32>], vector<16xf32>,
        %broadcast_in_dim3A_1056 = arith.constant 127 : i32
        %broadcast_in_dim3A_1057 = vector.broadcast %broadcast_in_dim3A_1056 : i32 to vector<16xi32>
        tpu.vector_store_idx %arg9[%add3A_37, %broadcast_in_dim3A_1057], %gather3A_1055 : memref<400x129xf32, #tpu.memory_space<vmem>>[vector<16xi32>, vector<16xi32>], vector<16xf32>,
      }
      %scan3A_21 = arith.constant 25 : i32
      "tpu.region"() ({
        %run_scoped3A = tpu.sem_alloc : memref<!tpu.dma_semaphore, #tpu.memory_space<semaphore_mem>>
        %dma_start3A = arith.constant 0 : i32
        %dma_start3A_22 = arith.constant 0 : i32
        %dma_start3A_23 = tpu.memref_slice %arg9[%dma_start3A, %dma_start3A_22] : memref<400x129xf32, #tpu.memory_space<vmem>> -> memref<400x128xf32, #tpu.memory_space<vmem>>
        %dma_start3A_24 = arith.constant 0 : i32
        %dma_start3A_25 = tpu.memref_slice %arg5[%add3A_15, %dma_start3A_24] : memref<320000x128xf32, #tpu.memory_space<hbm>> -> memref<400x128xf32, #tpu.memory_space<hbm>>
        %dma_start3A_26 = arith.constant 0 : i32
        %dma_start3A_27 = tpu.memref_slice %arg5[%add3A_15, %dma_start3A_26] : memref<320000x128xf32, #tpu.memory_space<hbm>> -> memref<400x128xf32, #tpu.memory_space<hbm>>
        %dma_start3A_28 = arith.constant 0 : i32
        %dma_start3A_29 = arith.constant 0 : i32
        %dma_start3A_30 = tpu.memref_slice %arg9[%dma_start3A_28, %dma_start3A_29] : memref<400x129xf32, #tpu.memory_space<vmem>> -> memref<400x128xf32, #tpu.memory_space<vmem>>
        tpu.enqueue_dma source(%dma_start3A_30 : memref<400x128xf32, #tpu.memory_space<vmem>>) target(%dma_start3A_27 : memref<400x128xf32, #tpu.memory_space<hbm>>) target_semaphore(%run_scoped3A : memref<!tpu.dma_semaphore, #tpu.memory_space<semaphore_mem>>)
        %dma_wait3A = arith.constant 0 : i32
        %dma_wait3A_31 = arith.constant 0 : i32
        %dma_wait3A_32 = tpu.memref_slice %arg9[%dma_wait3A, %dma_wait3A_31] : memref<400x129xf32, #tpu.memory_space<vmem>> -> memref<400x128xf32, #tpu.memory_space<vmem>>
        %dma_wait3A_33 = arith.constant 0 : i32
        %dma_wait3A_34 = tpu.memref_slice %arg5[%add3A_15, %dma_wait3A_33] : memref<320000x128xf32, #tpu.memory_space<hbm>> -> memref<400x128xf32, #tpu.memory_space<hbm>>
        %dma_wait3A_35 = arith.constant 0 : i32
        %dma_wait3A_36 = tpu.memref_slice %arg5[%add3A_15, %dma_wait3A_35] : memref<320000x128xf32, #tpu.memory_space<hbm>> -> memref<400x128xf32, #tpu.memory_space<hbm>>
        %dma_wait3A_37 = arith.constant 0 : i32
        %dma_wait3A_38 = arith.constant 0 : i32
        %dma_wait3A_39 = tpu.memref_slice %arg9[%dma_wait3A_37, %dma_wait3A_38] : memref<400x129xf32, #tpu.memory_space<vmem>> -> memref<400x128xf32, #tpu.memory_space<vmem>>
        tpu.wait_dma2 semaphore(%run_scoped3A : memref<!tpu.dma_semaphore, #tpu.memory_space<semaphore_mem>>) src(%dma_wait3A_39 : memref<400x128xf32, #tpu.memory_space<vmem>>) dst(%dma_wait3A_36 : memref<400x128xf32, #tpu.memory_space<hbm>>)
        tpu.yield
      }) : () -> ()
    }
    %scan3A_9 = arith.constant 25 : i32
    return
  }
}

</mosaic_0001>

<sc_bundles>
// kernel: kernel.3.cloned.1.call-start
scs
__scs_entry_jumppad:
0x0: {  	(pc) =	sbr.rel $0x88, $3  }
0x1: {  	(tag) =	ssettag $0x0;
	lr =	simm.s32 $0x1  }
0x2: {  	[smem:$0x3F9E] =	sst lr;
	_ =	strace $0xD0000000  }
0x3: {  	_ = 	snop  }
0x4: {  	_ = 	snop  }
0x5: {  	_ = 	snop  }
0x6: {  	_ = 	snop  }
0x7: {  	_ = 	snop  }
__scs_overlays_trampoline_lowered:
0x8: {  	[smem:$0x3FAD] =	sst s0  }
0x9: {  	[smem:$0x3FAE] =	sst s1  }
0xa: {  	[smem:$0x3FAF] =	sst s2  }
0xb: {  	[smem:$0x3FB0] =	sst s3  }
0xc: {  	[smem:$0x3FB1] =	sst s4  }
0xd: {  	[smem:$0x3FB2] =	sst s5  }
0xe: {  	[smem:$0x3FB3] =	sst s6  }
0xf: {  	[smem:$0x3FB4] =	sst s7  }
0x10: {  	[smem:$0x3FB5] =	sst s8  }
0x11: {  	[smem:$0x3FB6] =	sst s9;
	s0 =	simm.s32 @!p0 $0x0  }
0x12: {  	s1 =	sld [smem:$0x3F9C];
	s0 =	simm.s32 @p0 $0x1  }
0x13: {  	[smem:$0x3FB7] =	sst s0;
	s0 =	simm.s32 @!p1 $0x0  }
0x14: {  	s2 =	sld [smem:$0x3F9B];
	s0 =	simm.s32 @p1 $0x1  }
0x15: {  	[smem:$0x3FB8] =	sst s0;
	s0 =	simm.s32 @!p2 $0x0  }
0x16: {  	s3 =	sld [smem:$0x3FDB];
	s0 =	simm.s32 @p2 $0x1  }
0x17: {  	s4 =	simm.s32 $0x1BF5;
	[smem:$0x3FBA] =	sst s0  }
0x18: {  	s0 =	sld [smem:$0x3F9D];
	_ =	swait.ge [sflag:s4], $0x0  }
0x19: {  	s7 =	sld [smem:$0x3F9E]  }
0x1a: {  	s8 =	sadd.s32 $0xFFFFE003, lr  }
0x1b: {  	s9 =	sadd.s32 $0xFFFFFEF7, lr;
	s5 =	simm.s32 $0xFFFFFFFF;
	p2 =	slt.u32 s8, $0xFFFFF086  }
0x1c: {  	p1 =	slt.u32 s9, $0xF7A;
	s5 =	simm.s32 @!p2 $0x0  }
0x1d: {  	s5 =	simm.s32 @p1 $0x1;
	p0 =	seq.s32 s7, s2  }
0x1e: {  	s7 =	smul.u32 @!p0 $0xF7A, s2;
	p2 =	seq.s32 @!p0 s5, $0x0  }
0x1f: {  	s9 =	smul.u32 $0xF7A, s1;
	s8 =	simm.s32 @!p0 $0x1BF5;
	p2 =	por !p2, p0  }
0x20: {  	[sflag:s8] =	ssyncset.s32 @!p0 $0xFFFFF086;
	s6 =	sadd.s32 @!p0 s3, s7;
	s7 =	simm.s32 @!p0 $0x108  }
0x21: {  	s3 =	sadd.s32 s3, s9;
	s6 =	sadd.s32 @!p0 $0x88, s6;
	s7 =	simm.s32 @p2 $0x1082  }
0x22: {  	[simem:s7], [sflag:s8] =	dma.local @!p0 [hbm:s6], $0xF7A  }
0x23: {  	s9 =	sor.u32 $0xD0000000, s2;
	s6 =	simm.s32 $0x108;
	_ =	swait.ge @!p0 [sflag:s8], $0x0  }
0x24: {  	s3 =	sadd.s32 $0x88, s3;
	s6 =	simm.s32 @!p1 $0x1082;
	[sflag:s4] =	ssyncset.s32 $0xFFFFF086  }
0x25: {  	[simem:s6], [sflag:s4] =	dma.local [hbm:s3], $0xF7A  }
0x26: {  	[smem:$0x3F9E] =	sst s1;
	(tag) =	ssettag s2;
	_ =	strace s9  }
0x27: {  	s1 =	sld [smem:$0x3FAE]  }
0x28: {  	s2 =	sld [smem:$0x3FAF]  }
0x29: {  	s4 =	sld [smem:$0x3FB1]  }
0x2a: {  	p0 =	seq.s32 s5, $0x0;
	s5 =	sld [smem:$0x3FB2]  }
0x2b: {  	s6 =	sld [smem:$0x3FB3]  }
0x2c: {  	s7 =	sld [smem:$0x3FB4]  }
0x2d: {  	s3 =	simm.s32 $0x108;
	s8 =	sld [smem:$0x3FB5]  }
0x2e: {  	s3 =	simm.s32 @!p0 $0x1082;
	s9 =	sld [smem:$0x3FB6]  }
0x2f: {  	lr =	sadd.s32 s0, s3;
	s0 =	sld [smem:$0x3FAD]  }
0x30: {  	s3 =	sld [smem:$0x3FB0]  }
0x31: {  	[smem:$0x3FB9] =	sst s10  }
0x32: {  	s10 =	sld [smem:$0x3FB7];
	_ =	sdelay $0x3  }
0x33: {  	p0 =	seq.s32 s10, $0x1;
	s10 =	sld [smem:$0x3FB9];
	_ =	sdelay $0x3  }
0x34: {  	[smem:$0x3FB9] =	sst s10  }
0x35: {  	s10 =	sld [smem:$0x3FB8];
	_ =	sdelay $0x3  }
0x36: {  	p1 =	seq.s32 s10, $0x1;
	s10 =	sld [smem:$0x3FB9];
	_ =	sdelay $0x3  }
0x37: {  	[smem:$0x3FB9] =	sst s10  }
0x38: {  	s10 =	sld [smem:$0x3FBA]  }
0x39: {  	_ = 	snop;
	(pc) =	sbr.ind lr, $3  }
0x3a: {  	_ = 	snop  }
0x3b: {  	_ = 	snop  }
0x3c: {  	p2 =	seq.s32 s10, $0x1;
	s10 =	sld [smem:$0x3FB9]  }
0x3d: {  	_ =	shalt  }
0x3e: {  	_ =	shalt  }
0x3f: {  	_ =	shalt  }
0x40: {  	_ =	shalt  }
0x41: {  	_ =	shalt  }
0x42: {  	_ =	shalt  }
0x43: {  	_ =	shalt  }
0x44: {  	_ =	shalt  }
0x45: {  	_ =	shalt  }
0x46: {  	_ =	shalt  }
0x47: {  	_ =	shalt  }
0x48: {  	_ =	shalt  }
0x49: {  	_ =	shalt  }
0x4a: {  	_ =	shalt  }
0x4b: {  	_ =	shalt  }
0x4c: {  	_ =	shalt  }
0x4d: {  	_ =	shalt  }
0x4e: {  	_ =	shalt  }
0x4f: {  	_ =	shalt  }
0x50: {  	_ =	shalt  }
0x51: {  	_ =	shalt  }
0x52: {  	_ =	shalt  }
0x53: {  	_ =	shalt  }
0x54: {  	_ =	shalt  }
0x55: {  	_ =	shalt  }
0x56: {  	_ =	shalt  }
0x57: {  	_ =	shalt  }
0x58: {  	_ =	shalt  }
0x59: {  	_ =	shalt  }
0x5a: {  	_ =	shalt  }
0x5b: {  	_ =	shalt  }
0x5c: {  	_ =	shalt  }
0x5d: {  	_ =	shalt  }
0x5e: {  	_ =	shalt  }
0x5f: {  	_ =	shalt  }
0x60: {  	_ =	shalt  }
0x61: {  	_ =	shalt  }
0x62: {  	_ =	shalt  }
0x63: {  	_ =	shalt  }
0x64: {  	_ =	shalt  }
0x65: {  	_ =	shalt  }
0x66: {  	_ =	shalt  }
0x67: {  	_ =	shalt  }
0x68: {  	_ =	shalt  }
0x69: {  	_ =	shalt  }
0x6a: {  	_ =	shalt  }
0x6b: {  	_ =	shalt  }
0x6c: {  	_ =	shalt  }
0x6d: {  	_ =	shalt  }
0x6e: {  	_ =	shalt  }
0x6f: {  	_ =	shalt  }
0x70: {  	_ =	shalt  }
0x71: {  	_ =	shalt  }
0x72: {  	_ =	shalt  }
0x73: {  	_ =	shalt  }
0x74: {  	_ =	shalt  }
0x75: {  	_ =	shalt  }
0x76: {  	_ =	shalt  }
0x77: {  	_ =	shalt  }
0x78: {  	_ =	shalt  }
0x79: {  	_ =	shalt  }
0x7a: {  	_ =	shalt  }
0x7b: {  	_ =	shalt  }
0x7c: {  	_ =	shalt  }
0x7d: {  	_ =	shalt  }
0x7e: {  	_ =	shalt  }
0x7f: {  	_ =	shalt  }
0x80: {  	_ =	shalt  }
0x81: {  	_ =	shalt  }
0x82: {  	_ =	shalt  }
0x83: {  	_ =	shalt  }
0x84: {  	_ =	shalt  }
0x85: {  	_ =	shalt  }
0x86: {  	_ =	shalt  }
0x87: {  	_ =	shalt  }
.Lfunc_end0:
.L_simem_size_0:
called_computation_lowered:
.L_overlay_start_0:
0x88: {  	s2 =	sld [smem:$0x3FD9]  }
0x89: {  	s3 =	sld [smem:$0x3FFE];
	_ =	sdelay $0x1  }
0x8a: {  	s1 =	srdreg.scid  }
0x8b: {  	s0 =	sand.u32 $0x1, s1  }
0x8c: {  	s17 =	sshll.u32 s0, $0xA;
	s2 =	sadd.s32 s3, s2  }
0x8d: {  	s2 =	sadd.s32 s2, s17  }
0x8e: {  	[smem:$0x3FC5] =	sst s2  }
0x8f: {  	_ = 	snop  }
0x90: {  	s2 =	sld [smem:$0x3FC8]  }
0x91: {  	s18 =	sld [smem:$0x3FD0];
	(tm) =	ssettm $0x1  }
0x92: {  	s4 =	sld [smem:$0x3FFB];
	_ =	sdelay $0x3  }
0x93: {  	_ =	strace s4  }
0x94: {  	s4 =	sld [smem:$0x3FFC];
	_ =	sdelay $0x3  }
0x95: {  	_ =	strace s4  }
0x96: {  	s4 =	sld [smem:$0x3FFD];
	_ =	sdelay $0x3  }
0x97: {  	_ =	strace s4  }
0x98: {  	_ =	strace $0x8FFFFFFF  }
0x99: {  	s19 =	sld [smem:$0x3FDB];
	_ =	sdelay $0x1  }
0x9a: {  	s5 =	simm.s32 $_scs_section_size  }
0x9b: {  	s6 =	simm.s32 $_size__tile_overlayer_lowered;
	s7 =	simm.s32 $_tile_overlayer_lowered  }
0x9c: {  	s22 =	simm.s32 $0x1BFF;
	s21 =	sshll.u32 s7, $0x1;
	s4 =	sadd.s32 s5, s19  }
0x9d: {  	s8 =	simm.s32 $0x0;
	s20 =	sshll.u32 s6, $0x1;
	s6 =	sadd.s32 s21, s4  }
0x9e: {  	[timem:s8], [sflag:s22] =	dma.local [hbm:s6], s20  }
0x9f: {  	_ =	swait.ge [sflag:s22], s20  }
0xa0: {  	s5 =	ssub.s32 $0x0, s20;
	[sflag:s22] =	ssyncset.done $0x0  }
0xa1: {  	[sflag:s22] =	ssyncadd.s32 s5;
	_ =	sdelay $0x1  }
0xa2: {  	s23 =	simm.s32 $0x1B8B  }
0xa3: {  	_ =	swait.ge [sflag:s23], $0x1  }
0xa4: {  	[sflag:s23] =	ssyncset.done $0x0  }
0xa5: {  	s25 =	simm.s32 $0x1B8E;
	s24 =	sld [smem:$0x3FFE];
	[sflag:s23] =	ssyncadd.s32 $0xFFFFFFFF  }
0xa6: {  	s26 =	simm.s32 $execute0_lowered;
	[smem:$0x3FD2] =	sst s25  }
0xa7: {  	s6 =	sshll.u32 s26, $0x1;
	_ =	strace $0x80000046;
	[dreg:$0x1] =	wrdreg $0xFFFFFFFF  }
0xa8: {  	s28 =	simm.s32 $_size_execute0_lowered;
	s4 =	sadd.s32 s4, s6;
	[dreg:$0x0] =	wrdreg $0x0  }
0xa9: {  	s6 =	sshll.u32 s28, $0x1;
	[dreg:$0x2] =	wrdreg s4  }
0xaa: {  	[dreg:$0x3] =	wrdreg s6  }
0xab: {  	[dreg:$0x4] =	wrdreg $0xC0  }
0xac: {  	_ =	task [dreg:s8], $0x5FFFF  }
0xad: {  	[dreg:$0x1] =	wrdreg $0xFFFFFFFF  }
0xae: {  	[dreg:$0x0] =	wrdreg $0x60  }
0xaf: {  	[dreg:$0x2] =	wrdreg s24  }
0xb0: {  	[dreg:$0x3] =	wrdreg s2  }
0xb1: {  	[dreg:$0x4] =	wrdreg s18  }
0xb2: {  	[dreg:$0x5] =	wrdreg $0x9  }
0xb3: {  	_ =	task.clear_ibuf [dreg:s8], $0x6FFFF;
	_ =	strace $0x90000046  }
0xb4: {  	s29 =	simm.s32 $0x9;
	_ =	strace $0x80000048  }
0xb5: {  	_ =	swait.ge [sflag:s29], $0x1  }
0xb6: {  	[sflag:s29] =	ssyncadd.s32 $0xFFFFFFFF  }
0xb7: {  	_ =	strace $0x90000048  }
0xb8: {  	_ =	sfence  }
0xb9: {  	s30 =	sld [smem:$0x0];
	_ =	sdelay $0x2  }
0xba: {  	s31 =	sshll.u32 s1, $0xD;
	s1 =	sshrl.u32 s1, $0x2  }
0xbb: {  	s3 =	sand.u32 $0x4000, s31;
	s1 =	sadd.s32 s1, s30  }
0xbc: {  	s0 =	sor.u32 s3, s0;
	s1 =	sshll.u32 s1, $0x11  }
0xbd: {  	s0 =	sor.u32 s1, s0  }
0xbe: {  	s0 =	sadd.s32 $0x8F2B, s0  }
0xbf: {  	[sflag:s0] =	ssyncadd.remote.s32 $0x1  }
0xc0: {  	_ =	sfence.sel $0xFFFF  }
0xc1: {  	[dreg:$0x0] =	wrdreg $0xFFFFFFFF;
	(pc) =	sbr.abs _section_cstart, $3  }
0xc2: {  	[dreg:$0x1] =	wrdreg $0xFFFFFFFF  }
0xc3: {  	_ =	task.clear_ibuf [dreg:s8], $0x2FFFF;
	_ =	strace $0x9FFFFFFF  }
0xc4: {  	(tm) =	ssettm $0x7FFFFFFF  }
0xc5: {  	_ =	shalt  }
tec
execute0_lowered:
.L_overlay_start_1:
0x0: {  	(tag) =	ssettag $0x1  }
0x1: {  	v0 =	vlaneseq.u32  }
0x2: {  	v0 =	vmul.u32 $0x88, v0;
	_ =	sdelay $0x1  }
0x3: {  	v1 =	vadd.s32 $0x41, v0  }
0x4: {  	[tilespmem:$0x1FC30] =	vst v1;
	v1 =	vor.u32 $0x2, v0  }
0x5: {  	[tilespmem:$0x1FC40] =	vst v1;
	v1 =	vadd.s32 $0x42, v0  }
0x6: {  	[tilespmem:$0x1FC50] =	vst v1;
	v1 =	vor.u32 $0x3, v0  }
0x7: {  	[tilespmem:$0x1FC60] =	vst v1;
	v1 =	vadd.s32 $0x43, v0  }
0x8: {  	[tilespmem:$0x1FC70] =	vst v1;
	v1 =	vor.u32 $0x4, v0  }
0x9: {  	[tilespmem:$0x1FC80] =	vst v1;
	v1 =	vadd.s32 $0x44, v0  }
0xa: {  	[tilespmem:$0x1FC90] =	vst v1;
	v1 =	vor.u32 $0x5, v0  }
0xb: {  	[tilespmem:$0x1FCA0] =	vst v1;
	v1 =	vadd.s32 $0x45, v0  }
0xc: {  	[tilespmem:$0x1FCB0] =	vst v1;
	v1 =	vor.u32 $0x6, v0  }
0xd: {  	[tilespmem:$0x1FCC0] =	vst v1;
	v1 =	vadd.s32 $0x46, v0  }
0xe: {  	[tilespmem:$0x1FCD0] =	vst v1;
	v1 =	vor.u32 $0x7, v0  }
0xf: {  	[tilespmem:$0x1FCE0] =	vst v1;
	v1 =	vadd.s32 $0x47, v0  }
0x10: {  	[tilespmem:$0x1FCF0] =	vst v1;
	v1 =	vadd.s32 $0x8, v0  }
0x11: {  	[tilespmem:$0x1FD00] =	vst v1;
	v1 =	vadd.s32 $0x48, v0  }
0x12: {  	[tilespmem:$0x1FD10] =	vst v1;
	v1 =	vadd.s32 $0x9, v0  }
0x13: {  	[tilespmem:$0x1FD20] =	vst v1;
	v1 =	vadd.s32 $0x49, v0  }
0x14: {  	[tilespmem:$0x1FD30] =	vst v1;
	v1 =	vadd.s32 $0xA, v0  }
0x15: {  	[tilespmem:$0x1FD40] =	vst v1;
	v1 =	vadd.s32 $0x4A, v0  }
0x16: {  	[tilespmem:$0x1FD50] =	vst v1;
	v1 =	vadd.s32 $0xB, v0  }
0x17: {  	[tilespmem:$0x1FD60] =	vst v1;
	v1 =	vadd.s32 $0x4B, v0  }
0x18: {  	[tilespmem:$0x1FD70] =	vst v1;
	v1 =	vadd.s32 $0xC, v0  }
0x19: {  	[tilespmem:$0x1FD80] =	vst v1;
	v1 =	vadd.s32 $0x4C, v0  }
0x1a: {  	[tilespmem:$0x1FD90] =	vst v1;
	v1 =	vadd.s32 $0xD, v0  }
0x1b: {  	[tilespmem:$0x1FDA0] =	vst v1;
	v1 =	vadd.s32 $0x4D, v0  }
0x1c: {  	[tilespmem:$0x1FDB0] =	vst v1;
	v1 =	vadd.s32 $0xE, v0  }
0x1d: {  	[tilespmem:$0x1FDC0] =	vst v1;
	v1 =	vadd.s32 $0x4E, v0  }
0x1e: {  	[tilespmem:$0x1FDD0] =	vst v1;
	v1 =	vadd.s32 $0xF, v0  }
0x1f: {  	[tilespmem:$0x1FDE0] =	vst v1;
	v1 =	vadd.s32 $0x4F, v0  }
0x20: {  	[tilespmem:$0x1FDF0] =	vst v1;
	v1 =	vadd.s32 $0x10, v0  }
0x21: {  	[tilespmem:$0x1FE00] =	vst v1;
	v1 =	vadd.s32 $0x50, v0  }
0x22: {  	[tilespmem:$0x1FE10] =	vst v1;
	v1 =	vadd.s32 $0x11, v0  }
0x23: {  	[tilespmem:$0x1FE20] =	vst v1;
	v1 =	vadd.s32 $0x51, v0  }
0x24: {  	[tilespmem:$0x1FE30] =	vst v1;
	v1 =	vadd.s32 $0x12, v0  }
0x25: {  	[tilespmem:$0x1FE40] =	vst v1;
	v1 =	vadd.s32 $0x52, v0  }
0x26: {  	[tilespmem:$0x1FE50] =	vst v1;
	v1 =	vadd.s32 $0x13, v0  }
0x27: {  	[tilespmem:$0x1FE60] =	vst v1;
	v1 =	vadd.s32 $0x53, v0  }
0x28: {  	[tilespmem:$0x1FE70] =	vst v1;
	v1 =	vadd.s32 $0x14, v0  }
0x29: {  	[tilespmem:$0x1FE80] =	vst v1;
	v1 =	vadd.s32 $0x54, v0  }
0x2a: {  	[tilespmem:$0x1FE90] =	vst v1;
	v1 =	vadd.s32 $0x15, v0  }
0x2b: {  	[tilespmem:$0x1FEA0] =	vst v1;
	v1 =	vadd.s32 $0x55, v0  }
0x2c: {  	[tilespmem:$0x1FEB0] =	vst v1;
	v1 =	vadd.s32 $0x16, v0  }
0x2d: {  	[tilespmem:$0x1FEC0] =	vst v1;
	v1 =	vadd.s32 $0x56, v0  }
0x2e: {  	[tilespmem:$0x1FED0] =	vst v1;
	v1 =	vadd.s32 $0x17, v0  }
0x2f: {  	[tilespmem:$0x1FEE0] =	vst v1;
	v1 =	vadd.s32 $0x57, v0  }
0x30: {  	[tilespmem:$0x1FEF0] =	vst v1;
	v1 =	vadd.s32 $0x18, v0  }
0x31: {  	[tilespmem:$0x1FF00] =	vst v1;
	v1 =	vadd.s32 $0x58, v0  }
0x32: {  	[tilespmem:$0x1FF10] =	vst v1;
	v1 =	vadd.s32 $0x19, v0  }
0x33: {  	s1 =	rddreg [dreg:$0x0];
	[tilespmem:$0x1FF20] =	vst v1;
	v1 =	vadd.s32 $0x59, v0  }
0x34: {  	s2 =	srdreg.scid;
	s7 =	rddreg [dreg:$0x1];
	[tilespmem:$0x1FF30] =	vst v1;
	v1 =	vadd.s32 $0x1A, v0  }
0x35: {  	s0 =	stileid.u32;
	s3 =	rddreg [dreg:$0x2];
	[tilespmem:$0x1FF40] =	vst v1;
	v1 =	vadd.s32 $0x5A, v0  }
0x36: {  	s5 =	simm.s32 $0x0;
	s6 =	sand.u32 $0x1, s2;
	s31 =	sshll.u32 s0, $0x1;
	[tilespmem:$0x1FF50] =	vst v1;
	v1 =	vadd.s32 $0x1B, v0  }
0x37: {  	[smem:$0x7FF] =	sst s5;
	s2 =	sor.u32 s6, s31;
	[tilespmem:$0x1FF60] =	vst v1;
	v1 =	vadd.s32 $0x5B, v0  }
0x38: {  	s4 =	smul.u32 $0x2710, s2;
	s2 =	rddreg [dreg:$0x3];
	_ =	strace $0x80000047;
	[tilespmem:$0x1FF70] =	vst v1;
	v1 =	vadd.s32 $0x1C, v0  }
0x39: {  	[tilespmem:$0x1FF80] =	vst v1;
	v1 =	vadd.s32 $0x5C, v0  }
0x3a: {  	[tilespmem:$0x1FF90] =	vst v1;
	v1 =	vadd.s32 $0x1D, v0  }
0x3b: {  	[tilespmem:$0x1FFA0] =	vst v1;
	v1 =	vadd.s32 $0x5D, v0  }
0x3c: {  	s6 =	ssub.s32 $0x2, s6;
	[tilespmem:$0x1FFB0] =	vst v1;
	v1 =	vadd.s32 $0x1E, v0  }
0x3d: {  	s11 =	simm.s32 $0x6788;
	s10 =	sshrl.u32 s6, $0x1;
	[tilespmem:$0x1FFC0] =	vst v1;
	v1 =	vadd.s32 $0x5E, v0  }
0x3e: {  	s12 =	simm.s32 $0x0;
	s10 =	ssub.s32 s6, s10;
	s8 =	sshrl.u32 s4, $0x3;
	[tilespmem:$0x1FFD0] =	vst v1;
	v1 =	vadd.s32 $0x1F, v0  }
0x3f: {  	s9 =	sadd.s32 s8, s1;
	s7 =	sadd.s32 s7, s8;
	s8 =	smax.u32 s10, $0x1;
	[tilespmem:$0x1FFE0] =	vst v1;
	v1 =	vadd.s32 $0x5F, v0  }
0x40: {  	v10 =	vadd.s32 $0x40, v0;
	v11 =	vor.u32 $0x1, v0;
	s10 =	simm.s32 $0x4E20;
	s6 =	sadd.s32 $0x400, s9;
	s9 =	simm.s32 $0x1;
	[tilespmem:$0x1FFF0] =	vst v1  }
.LBB2_1:
0x41: {  	[tilespmem:s5], [sflag:$0x1] =	stream.linear.gather [hbm4b:s6+s5], $0x2710, $0x38;
	[tilespmem:$0x13C08] =	vst v63  }
0x42: {  	_ =	swait.ge [sflag:s9], $0x2710  }
0x43: {  	[sflag:s9] =	ssyncset.done $0x0  }
0x44: {  	s13 =	simm.s32 $0x2710;
	[sflag:s9] =	ssyncadd.s32 $0xFFFFD8F0  }
0x45: {  	[tilespmem:s13], [sflag:$0x1] =	stream.linear.gather [hbm4b:s7+s5], $0x2710, $0x38;
	[tilespmem:$0x13C08] =	vst v63  }
0x46: {  	_ =	swait.ge [sflag:s9], $0x2710  }
0x47: {  	[sflag:s9] =	ssyncset.done $0x0  }
0x48: {  	[sflag:s9] =	ssyncadd.s32 $0xFFFFD8F0  }
0x49: {  	[tilespmem:s10], [sflag:$0x1] =	stream.linear.gather [hbm4b:s1+s5], $0x1968, $0x38;
	[tilespmem:$0x13C08] =	vst v63  }
0x4a: {  	_ =	swait.ge [sflag:s9], $0x1968  }
0x4b: {  	[sflag:s9] =	ssyncset.done $0x0  }
0x4c: {  	s14 =	simm.s32 $0x0;
	s15 =	simm.s32 $0x0;
	[sflag:s9] =	ssyncadd.s32 $0xFFFFE698  }
.LBB2_2:
0x4d: {  	v21 =	vld [tilespmem:$0x1FCC0]  }
0x4e: {  	v22 =	vld [tilespmem:$0x1FCD0]  }
0x4f: {  	v23 =	vld [tilespmem:$0x1FCE0]  }
0x50: {  	v24 =	vld [tilespmem:$0x1FCF0]  }
0x51: {  	v25 =	vld [tilespmem:$0x1FD00]  }
0x52: {  	v26 =	vld [tilespmem:$0x1FD10]  }
0x53: {  	v27 =	vld [tilespmem:$0x1FD20]  }
0x54: {  	v28 =	vld [tilespmem:$0x1FD30]  }
0x55: {  	v29 =	vld [tilespmem:$0x1FD40]  }
0x56: {  	v30 =	vld [tilespmem:$0x1FD50]  }
0x57: {  	v31 =	vld [tilespmem:$0x1FD60]  }
0x58: {  	v32 =	vld [tilespmem:$0x1FD70]  }
0x59: {  	v33 =	vld [tilespmem:$0x1FD80]  }
0x5a: {  	v34 =	vld [tilespmem:$0x1FD90]  }
0x5b: {  	v35 =	vld [tilespmem:$0x1FDA0]  }
0x5c: {  	v36 =	vld [tilespmem:$0x1FDB0]  }
0x5d: {  	v37 =	vld [tilespmem:$0x1FDC0]  }
0x5e: {  	v38 =	vld [tilespmem:$0x1FDD0]  }
0x5f: {  	v39 =	vld [tilespmem:$0x1FDE0]  }
0x60: {  	v40 =	vld [tilespmem:$0x1FDF0]  }
0x61: {  	v41 =	vld [tilespmem:$0x1FE00]  }
0x62: {  	v42 =	vld [tilespmem:$0x1FE10]  }
0x63: {  	v43 =	vld [tilespmem:$0x1FE20]  }
0x64: {  	v44 =	vld [tilespmem:$0x1FE30]  }
0x65: {  	v45 =	vld [tilespmem:$0x1FE40]  }
0x66: {  	v46 =	vld [tilespmem:$0x1FE50]  }
0x67: {  	v47 =	vld [tilespmem:$0x1FE60]  }
0x68: {  	v48 =	vld [tilespmem:$0x1FE70]  }
0x69: {  	v49 =	vld [tilespmem:$0x1FE80]  }
0x6a: {  	v50 =	vld [tilespmem:$0x1FE90]  }
0x6b: {  	v51 =	vld [tilespmem:$0x1FEA0]  }
0x6c: {  	v52 =	vld [tilespmem:$0x1FEB0]  }
0x6d: {  	v53 =	vld [tilespmem:$0x1FEC0]  }
0x6e: {  	v54 =	vld [tilespmem:$0x1FED0]  }
0x6f: {  	v55 =	vld [tilespmem:$0x1FEE0]  }
0x70: {  	v56 =	vld [tilespmem:$0x1FEF0]  }
0x71: {  	v57 =	vld [tilespmem:$0x1FF00]  }
0x72: {  	v58 =	vld [tilespmem:$0x1FF10]  }
0x73: {  	v59 =	vld [tilespmem:$0x1FF20]  }
0x74: {  	v60 =	vld [tilespmem:$0x1FF30]  }
0x75: {  	v61 =	vld [tilespmem:$0x1FF40]  }
0x76: {  	v62 =	vld [tilespmem:$0x1FF50]  }
0x77: {  	v63 =	vld [tilespmem:$0x1FF60]  }
0x78: {  	v12 =	vld [tilespmem:$0x1FF70]  }
0x79: {  	v13 =	vld [tilespmem:$0x1FF80]  }
0x7a: {  	v14 =	vld [tilespmem:$0x1FF90]  }
0x7b: {  	v15 =	vld [tilespmem:$0x1FFA0]  }
0x7c: {  	v16 =	vld [tilespmem:$0x1FFB0]  }
0x7d: {  	v17 =	vld [tilespmem:$0x1FFC0]  }
0x7e: {  	v18 =	vld [tilespmem:$0x1FFD0]  }
0x7f: {  	s16 =	smul.u32 $0x190, s15;
	v19 =	vld [tilespmem:$0x1FFE0]  }
0x80: {  	s17 =	simm.s32 $0x0;
	s18 =	smov.u32 s13;
	s19 =	smov.u32 s14;
	v20 =	vld [tilespmem:$0x1FFF0]  }
.LBB2_3:
0x81: {  	v3 =	vld [tilespmem:s19+$0x0];
	_ =	sdelay $0x4  }
0x82: {  	v1 =	vmul.f32 v3, v3;
	_ =	sdelay $0x1  }
0x83: {  	v1 =	vmul.f32 $-4.961249830e+00, v1;
	_ =	sdelay $0x1  }
0x84: {  	v1 =	vmul.f32 $1.442695020e+00, v1;
	_ =	sdelay $0x1  }
0x85: {  	v4 =	vld [tilespmem:s18+$0x0];
	v5 =	vmov s17;
	(erf) = vpow2.f32 v1  }
0x86: {  	v2 =	vadd.f32 $-3.174603280e-01, v3;
	v1 =	vmul.u32 $0x88, v5;
	_ =	sdelay $0x1  }
0x87: {  	v2 =	vmul.f32 v2, v2;
	v1 =	vbroadcast v1, $0x0  }
0x88: {  	v6 =	vadd.f32 $-6.349206560e-01, v3  }
0x89: {  	v5 =	vmul.f32 $-4.961249830e+00, v2;
	v2 =	vmul.u32 $0x41, v4;
	v4 =	vadd.s32 v0, v1;
	_ =	sdelay $0x1  }
0x8a: {  	v5 =	vmul.f32 $1.442695020e+00, v5;
	_ =	sdelay $0x1  }
0x8b: {  	(erf) = vpow2.f32 v5;
	v5 =	vmul.f32 v6, v6;
	v6 =	vpop (erf)  }
0x8c: {  	[tilespmem:v4+s11+$0x0] =	vst.idx.msk $0xffff, v6  }
0x8d: {  	v4 =	vmul.f32 $-4.961249830e+00, v5;
	v6 =	vadd.s32 v10, v1;
	v5 =	vld.idx.msk [tilespmem:v2+s10+$0x0], $0xffff;
	_ =	sdelay $0x3  }
0x8e: {  	v7 =	vadd.s32 v11, v1  }
0x8f: {  	v8 =	vadd.s32 $0x1, v2;
	[tilespmem:v6+s11+$0x0] =	vst.idx.msk $0xffff, v5;
	v6 =	vld [tilespmem:$0x1FC30];
	_ =	sdelay $0x1  }
0x90: {  	v4 =	vmul.f32 $1.442695020e+00, v4  }
0x91: {  	v5 =	vpop (erf)  }
0x92: {  	(erf) = vpow2.f32 v4;
	[tilespmem:v7+s11+$0x0] =	vst.idx.msk $0xffff, v5;
	v7 =	vld [tilespmem:$0x1FC40]  }
0x93: {  	v5 =	vld.idx.msk [tilespmem:v8+s10+$0x0], $0xffff;
	v6 =	vadd.s32 v6, v1  }
0x94: {  	v9 =	vadd.f32 $-9.523809550e-01, v3;
	_ =	sdelay $0x1  }
0x95: {  	v4 =	vmul.f32 v9, v9  }
0x96: {  	v7 =	vadd.s32 v7, v1  }
0x97: {  	v4 =	vmul.f32 $-4.961249830e+00, v4;
	v8 =	vadd.s32 $0x2, v2;
	[tilespmem:v6+s11+$0x0] =	vst.idx.msk $0xffff, v5;
	v6 =	vld [tilespmem:$0x1FC50];
	_ =	sdelay $0x1  }
0x98: {  	v4 =	vmul.f32 $1.442695020e+00, v4  }
0x99: {  	v5 =	vpop (erf)  }
0x9a: {  	(erf) = vpow2.f32 v4;
	[tilespmem:v7+s11+$0x0] =	vst.idx.msk $0xffff, v5;
	v7 =	vld [tilespmem:$0x1FC60]  }
0x9b: {  	v5 =	vld.idx.msk [tilespmem:v8+s10+$0x0], $0xffff;
	v6 =	vadd.s32 v6, v1  }
0x9c: {  	v9 =	vadd.f32 $-1.269841310e+00, v3;
	_ =	sdelay $0x1  }
0x9d: {  	v4 =	vmul.f32 v9, v9  }
0x9e: {  	v7 =	vadd.s32 v7, v1  }
0x9f: {  	v4 =	vmul.f32 $-4.961249830e+00, v4;
	v8 =	vadd.s32 $0x3, v2;
	[tilespmem:v6+s11+$0x0] =	vst.idx.msk $0xffff, v5;
	v6 =	vld [tilespmem:$0x1FC70];
	_ =	sdelay $0x1  }
0xa0: {  	v4 =	vmul.f32 $1.442695020e+00, v4  }
0xa1: {  	v5 =	vpop (erf)  }
0xa2: {  	(erf) = vpow2.f32 v4;
	[tilespmem:v7+s11+$0x0] =	vst.idx.msk $0xffff, v5;
	v7 =	vld [tilespmem:$0x1FC80]  }
0xa3: {  	v5 =	vld.idx.msk [tilespmem:v8+s10+$0x0], $0xffff;
	v6 =	vadd.s32 v6, v1  }
0xa4: {  	v9 =	vadd.f32 $-1.587301610e+00, v3;
	_ =	sdelay $0x1  }
0xa5: {  	v4 =	vmul.f32 v9, v9  }
0xa6: {  	v7 =	vadd.s32 v7, v1  }
0xa7: {  	v4 =	vmul.f32 $-4.961249830e+00, v4;
	v8 =	vadd.s32 $0x4, v2;
	[tilespmem:v6+s11+$0x0] =	vst.idx.msk $0xffff, v5;
	v6 =	vld [tilespmem:$0x1FC90];
	_ =	sdelay $0x1  }
0xa8: {  	v4 =	vmul.f32 $1.442695020e+00, v4  }
0xa9: {  	v9 =	vadd.f32 $-1.904761910e+00, v3;
	v5 =	vpop (erf)  }
0xaa: {  	(erf) = vpow2.f32 v4;
	[tilespmem:v7+s11+$0x0] =	vst.idx.msk $0xffff, v5;
	v7 =	vld [tilespmem:$0x1FCA0]  }
0xab: {  	v4 =	vmul.f32 v9, v9;
	v5 =	vld.idx.msk [tilespmem:v8+s10+$0x0], $0xffff;
	v6 =	vadd.s32 v6, v1;
	_ =	sdelay $0x1  }
0xac: {  	v4 =	vmul.f32 $-4.961249830e+00, v4;
	_ =	sdelay $0x1  }
0xad: {  	v4 =	vmul.f32 $1.442695020e+00, v4;
	v7 =	vadd.s32 v7, v1  }
0xae: {  	v9 =	vadd.f32 $-2.222222330e+00, v3;
	v8 =	vadd.s32 $0x5, v2;
	[tilespmem:v6+s11+$0x0] =	vst.idx.msk $0xffff, v5;
	v6 =	vld [tilespmem:$0x1FCB0]  }
0xaf: {  	(erf) = vpow2.f32 v4  }
0xb0: {  	v4 =	vmul.f32 v9, v9  }
0xb1: {  	v5 =	vpop (erf)  }
0xb2: {  	v4 =	vmul.f32 $-4.961249830e+00, v4;
	[tilespmem:v7+s11+$0x0] =	vst.idx.msk $0xffff, v5  }
0xb3: {  	v5 =	vld.idx.msk [tilespmem:v8+s10+$0x0], $0xffff;
	v6 =	vadd.s32 v6, v1  }
0xb4: {  	v4 =	vmul.f32 $1.442695020e+00, v4;
	v7 =	vadd.s32 v21, v1  }
0xb5: {  	v9 =	vadd.f32 $-2.539682630e+00, v3;
	v8 =	vadd.s32 $0x6, v2  }
0xb6: {  	(erf) = vpow2.f32 v4  }
0xb7: {  	v4 =	vmul.f32 v9, v9  }
0xb8: {  	[tilespmem:v6+s11+$0x0] =	vst.idx.msk $0xffff, v5;
	v5 =	vpop (erf)  }
0xb9: {  	v4 =	vmul.f32 $-4.961249830e+00, v4;
	[tilespmem:v7+s11+$0x0] =	vst.idx.msk $0xffff, v5  }
0xba: {  	v6 =	vadd.s32 v22, v1;
	v5 =	vld.idx.msk [tilespmem:v8+s10+$0x0], $0xffff  }
0xbb: {  	v4 =	vmul.f32 $1.442695020e+00, v4;
	v7 =	vadd.s32 v23, v1  }
0xbc: {  	v9 =	vadd.f32 $-2.857142930e+00, v3;
	v8 =	vadd.s32 $0x7, v2  }
0xbd: {  	(erf) = vpow2.f32 v4  }
0xbe: {  	v4 =	vmul.f32 v9, v9  }
0xbf: {  	[tilespmem:v6+s11+$0x0] =	vst.idx.msk $0xffff, v5;
	v5 =	vpop (erf)  }
0xc0: {  	v4 =	vmul.f32 $-4.961249830e+00, v4;
	[tilespmem:v7+s11+$0x0] =	vst.idx.msk $0xffff, v5  }
0xc1: {  	v6 =	vadd.s32 v24, v1;
	v5 =	vld.idx.msk [tilespmem:v8+s10+$0x0], $0xffff  }
0xc2: {  	v4 =	vmul.f32 $1.442695020e+00, v4;
	v7 =	vadd.s32 v25, v1  }
0xc3: {  	v9 =	vadd.f32 $-3.174603220e+00, v3;
	v8 =	vadd.s32 $0x8, v2  }
0xc4: {  	(erf) = vpow2.f32 v4  }
0xc5: {  	v4 =	vmul.f32 v9, v9  }
0xc6: {  	[tilespmem:v6+s11+$0x0] =	vst.idx.msk $0xffff, v5;
	v5 =	vpop (erf)  }
0xc7: {  	v4 =	vmul.f32 $-4.961249830e+00, v4;
	[tilespmem:v7+s11+$0x0] =	vst.idx.msk $0xffff, v5  }
0xc8: {  	v6 =	vadd.s32 v26, v1;
	v5 =	vld.idx.msk [tilespmem:v8+s10+$0x0], $0xffff  }
0xc9: {  	v4 =	vmul.f32 $1.442695020e+00, v4;
	v7 =	vadd.s32 v27, v1  }
0xca: {  	v9 =	vadd.f32 $-3.492063520e+00, v3;
	v8 =	vadd.s32 $0x9, v2  }
0xcb: {  	(erf) = vpow2.f32 v4  }
0xcc: {  	v4 =	vmul.f32 v9, v9  }
0xcd: {  	[tilespmem:v6+s11+$0x0] =	vst.idx.msk $0xffff, v5;
	v5 =	vpop (erf)  }
0xce: {  	v4 =	vmul.f32 $-4.961249830e+00, v4;
	[tilespmem:v7+s11+$0x0] =	vst.idx.msk $0xffff, v5  }
0xcf: {  	v6 =	vadd.s32 v28, v1;
	v5 =	vld.idx.msk [tilespmem:v8+s10+$0x0], $0xffff  }
0xd0: {  	v4 =	vmul.f32 $1.442695020e+00, v4;
	v7 =	vadd.s32 v29, v1  }
0xd1: {  	v9 =	vadd.f32 $-3.809523820e+00, v3;
	v8 =	vadd.s32 $0xA, v2  }
0xd2: {  	(erf) = vpow2.f32 v4  }
0xd3: {  	v4 =	vmul.f32 v9, v9  }
0xd4: {  	[tilespmem:v6+s11+$0x0] =	vst.idx.msk $0xffff, v5;
	v5 =	vpop (erf)  }
0xd5: {  	v4 =	vmul.f32 $-4.961249830e+00, v4;
	[tilespmem:v7+s11+$0x0] =	vst.idx.msk $0xffff, v5  }
0xd6: {  	v6 =	vadd.s32 v30, v1;
	v5 =	vld.idx.msk [tilespmem:v8+s10+$0x0], $0xffff  }
0xd7: {  	v4 =	vmul.f32 $1.442695020e+00, v4;
	v7 =	vadd.s32 v31, v1  }
0xd8: {  	v9 =	vadd.f32 $-4.126984120e+00, v3;
	v8 =	vadd.s32 $0xB, v2  }
0xd9: {  	(erf) = vpow2.f32 v4  }
0xda: {  	v4 =	vmul.f32 v9, v9  }
0xdb: {  	[tilespmem:v6+s11+$0x0] =	vst.idx.msk $0xffff, v5;
	v5 =	vpop (erf)  }
0xdc: {  	v4 =	vmul.f32 $-4.961249830e+00, v4;
	[tilespmem:v7+s11+$0x0] =	vst.idx.msk $0xffff, v5  }
0xdd: {  	v6 =	vadd.s32 v32, v1;
	v5 =	vld.idx.msk [tilespmem:v8+s10+$0x0], $0xffff  }
0xde: {  	v4 =	vmul.f32 $1.442695020e+00, v4;
	v7 =	vadd.s32 v33, v1  }
0xdf: {  	v9 =	vadd.f32 $-4.444444660e+00, v3;
	v8 =	vadd.s32 $0xC, v2  }
0xe0: {  	(erf) = vpow2.f32 v4  }
0xe1: {  	v4 =	vmul.f32 v9, v9  }
0xe2: {  	[tilespmem:v6+s11+$0x0] =	vst.idx.msk $0xffff, v5;
	v5 =	vpop (erf)  }
0xe3: {  	v4 =	vmul.f32 $-4.961249830e+00, v4;
	[tilespmem:v7+s11+$0x0] =	vst.idx.msk $0xffff, v5  }
0xe4: {  	v6 =	vadd.s32 v34, v1;
	v5 =	vld.idx.msk [tilespmem:v8+s10+$0x0], $0xffff  }
0xe5: {  	v4 =	vmul.f32 $1.442695020e+00, v4;
	v7 =	vadd.s32 v35, v1  }
0xe6: {  	v9 =	vadd.f32 $-4.761904720e+00, v3;
	v8 =	vadd.s32 $0xD, v2  }
0xe7: {  	(erf) = vpow2.f32 v4  }
0xe8: {  	v4 =	vmul.f32 v9, v9  }
0xe9: {  	[tilespmem:v6+s11+$0x0] =	vst.idx.msk $0xffff, v5;
	v5 =	vpop (erf)  }
0xea: {  	v4 =	vmul.f32 $-4.961249830e+00, v4;
	[tilespmem:v7+s11+$0x0] =	vst.idx.msk $0xffff, v5  }
0xeb: {  	v6 =	vadd.s32 v36, v1;
	v5 =	vld.idx.msk [tilespmem:v8+s10+$0x0], $0xffff  }
0xec: {  	v4 =	vmul.f32 $1.442695020e+00, v4;
	v7 =	vadd.s32 v37, v1  }
0xed: {  	v9 =	vadd.f32 $-5.079365250e+00, v3;
	v8 =	vadd.s32 $0xE, v2  }
0xee: {  	(erf) = vpow2.f32 v4  }
0xef: {  	v4 =	vmul.f32 v9, v9  }
0xf0: {  	[tilespmem:v6+s11+$0x0] =	vst.idx.msk $0xffff, v5;
	v5 =	vpop (erf)  }
0xf1: {  	v4 =	vmul.f32 $-4.961249830e+00, v4;
	[tilespmem:v7+s11+$0x0] =	vst.idx.msk $0xffff, v5  }
0xf2: {  	v6 =	vadd.s32 v38, v1;
	v5 =	vld.idx.msk [tilespmem:v8+s10+$0x0], $0xffff  }
0xf3: {  	v4 =	vmul.f32 $1.442695020e+00, v4;
	v7 =	vadd.s32 v39, v1  }
0xf4: {  	v9 =	vadd.f32 $-5.396825310e+00, v3;
	v8 =	vadd.s32 $0xF, v2  }
0xf5: {  	(erf) = vpow2.f32 v4  }
0xf6: {  	v4 =	vmul.f32 v9, v9  }
0xf7: {  	[tilespmem:v6+s11+$0x0] =	vst.idx.msk $0xffff, v5;
	v5 =	vpop (erf)  }
0xf8: {  	v4 =	vmul.f32 $-4.961249830e+00, v4;
	[tilespmem:v7+s11+$0x0] =	vst.idx.msk $0xffff, v5  }
0xf9: {  	v6 =	vadd.s32 v40, v1;
	v5 =	vld.idx.msk [tilespmem:v8+s10+$0x0], $0xffff  }
0xfa: {  	v4 =	vmul.f32 $1.442695020e+00, v4;
	v7 =	vadd.s32 v41, v1  }
0xfb: {  	v9 =	vadd.f32 $-5.714285850e+00, v3;
	v8 =	vadd.s32 $0x10, v2  }
0xfc: {  	(erf) = vpow2.f32 v4  }
0xfd: {  	v4 =	vmul.f32 v9, v9  }
0xfe: {  	[tilespmem:v6+s11+$0x0] =	vst.idx.msk $0xffff, v5;
	v5 =	vpop (erf)  }
0xff: {  	v4 =	vmul.f32 $-4.961249830e+00, v4;
	[tilespmem:v7+s11+$0x0] =	vst.idx.msk $0xffff, v5  }
0x100: {  	v6 =	vadd.s32 v42, v1;
	v5 =	vld.idx.msk [tilespmem:v8+s10+$0x0], $0xffff  }
0x101: {  	v4 =	vmul.f32 $1.442695020e+00, v4;
	v7 =	vadd.s32 v43, v1  }
0x102: {  	v9 =	vadd.f32 $-6.031745910e+00, v3;
	v8 =	vadd.s32 $0x11, v2  }
0x103: {  	(erf) = vpow2.f32 v4  }
0x104: {  	v4 =	vmul.f32 v9, v9  }
0x105: {  	[tilespmem:v6+s11+$0x0] =	vst.idx.msk $0xffff, v5;
	v5 =	vpop (erf)  }
0x106: {  	v4 =	vmul.f32 $-4.961249830e+00, v4;
	[tilespmem:v7+s11+$0x0] =	vst.idx.msk $0xffff, v5  }
0x107: {  	v6 =	vadd.s32 v44, v1;
	v5 =	vld.idx.msk [tilespmem:v8+s10+$0x0], $0xffff  }
0x108: {  	v4 =	vmul.f32 $1.442695020e+00, v4;
	v7 =	vadd.s32 v45, v1  }
0x109: {  	v9 =	vadd.f32 $-6.349206450e+00, v3;
	v8 =	vadd.s32 $0x12, v2  }
0x10a: {  	(erf) = vpow2.f32 v4  }
0x10b: {  	v4 =	vmul.f32 v9, v9  }
0x10c: {  	[tilespmem:v6+s11+$0x0] =	vst.idx.msk $0xffff, v5;
	v5 =	vpop (erf)  }
0x10d: {  	v4 =	vmul.f32 $-4.961249830e+00, v4;
	[tilespmem:v7+s11+$0x0] =	vst.idx.msk $0xffff, v5  }
0x10e: {  	v6 =	vadd.s32 v46, v1;
	v5 =	vld.idx.msk [tilespmem:v8+s10+$0x0], $0xffff  }
0x10f: {  	v4 =	vmul.f32 $1.442695020e+00, v4;
	v7 =	vadd.s32 v47, v1  }
0x110: {  	v9 =	vadd.f32 $-6.666666510e+00, v3;
	v8 =	vadd.s32 $0x13, v2  }
0x111: {  	(erf) = vpow2.f32 v4  }
0x112: {  	v4 =	vmul.f32 v9, v9  }
0x113: {  	[tilespmem:v6+s11+$0x0] =	vst.idx.msk $0xffff, v5;
	v5 =	vpop (erf)  }
0x114: {  	v4 =	vmul.f32 $-4.961249830e+00, v4;
	[tilespmem:v7+s11+$0x0] =	vst.idx.msk $0xffff, v5  }
0x115: {  	v6 =	vadd.s32 v48, v1;
	v5 =	vld.idx.msk [tilespmem:v8+s10+$0x0], $0xffff  }
0x116: {  	v4 =	vmul.f32 $1.442695020e+00, v4;
	v7 =	vadd.s32 v49, v1  }
0x117: {  	v9 =	vadd.f32 $-6.984127040e+00, v3;
	v8 =	vadd.s32 $0x14, v2  }
0x118: {  	(erf) = vpow2.f32 v4  }
0x119: {  	v4 =	vmul.f32 v9, v9  }
0x11a: {  	[tilespmem:v6+s11+$0x0] =	vst.idx.msk $0xffff, v5;
	v5 =	vpop (erf)  }
0x11b: {  	v4 =	vmul.f32 $-4.961249830e+00, v4;
	[tilespmem:v7+s11+$0x0] =	vst.idx.msk $0xffff, v5  }
0x11c: {  	v6 =	vadd.s32 v50, v1;
	v5 =	vld.idx.msk [tilespmem:v8+s10+$0x0], $0xffff  }
0x11d: {  	v4 =	vmul.f32 $1.442695020e+00, v4;
	v7 =	vadd.s32 v51, v1  }
0x11e: {  	v9 =	vadd.f32 $-7.301587100e+00, v3;
	v8 =	vadd.s32 $0x15, v2  }
0x11f: {  	(erf) = vpow2.f32 v4  }
0x120: {  	v4 =	vmul.f32 v9, v9  }
0x121: {  	[tilespmem:v6+s11+$0x0] =	vst.idx.msk $0xffff, v5;
	v5 =	vpop (erf)  }
0x122: {  	v4 =	vmul.f32 $-4.961249830e+00, v4;
	[tilespmem:v7+s11+$0x0] =	vst.idx.msk $0xffff, v5  }
0x123: {  	v6 =	vadd.s32 v52, v1;
	v5 =	vld.idx.msk [tilespmem:v8+s10+$0x0], $0xffff  }
0x124: {  	v4 =	vmul.f32 $1.442695020e+00, v4;
	v7 =	vadd.s32 v53, v1  }
0x125: {  	v9 =	vadd.f32 $-7.619047640e+00, v3;
	v8 =	vadd.s32 $0x16, v2  }
0x126: {  	(erf) = vpow2.f32 v4  }
0x127: {  	v4 =	vmul.f32 v9, v9  }
0x128: {  	[tilespmem:v6+s11+$0x0] =	vst.idx.msk $0xffff, v5;
	v5 =	vpop (erf)  }
0x129: {  	v4 =	vmul.f32 $-4.961249830e+00, v4;
	[tilespmem:v7+s11+$0x0] =	vst.idx.msk $0xffff, v5  }
0x12a: {  	v6 =	vadd.s32 v54, v1;
	v5 =	vld.idx.msk [tilespmem:v8+s10+$0x0], $0xffff  }
0x12b: {  	v4 =	vmul.f32 $1.442695020e+00, v4;
	v7 =	vadd.s32 v55, v1  }
0x12c: {  	v9 =	vadd.f32 $-7.936507700e+00, v3;
	v8 =	vadd.s32 $0x17, v2  }
0x12d: {  	(erf) = vpow2.f32 v4  }
0x12e: {  	v4 =	vmul.f32 v9, v9  }
0x12f: {  	[tilespmem:v6+s11+$0x0] =	vst.idx.msk $0xffff, v5;
	v5 =	vpop (erf)  }
0x130: {  	v4 =	vmul.f32 $-4.961249830e+00, v4;
	[tilespmem:v7+s11+$0x0] =	vst.idx.msk $0xffff, v5  }
0x131: {  	v6 =	vadd.s32 v56, v1;
	v5 =	vld.idx.msk [tilespmem:v8+s10+$0x0], $0xffff  }
0x132: {  	v4 =	vmul.f32 $1.442695020e+00, v4;
	v7 =	vadd.s32 v57, v1  }
0x133: {  	v9 =	vadd.f32 $-8.253968230e+00, v3;
	v8 =	vadd.s32 $0x18, v2  }
0x134: {  	(erf) = vpow2.f32 v4  }
0x135: {  	v4 =	vmul.f32 v9, v9  }
0x136: {  	[tilespmem:v6+s11+$0x0] =	vst.idx.msk $0xffff, v5;
	v5 =	vpop (erf)  }
0x137: {  	v4 =	vmul.f32 $-4.961249830e+00, v4;
	[tilespmem:v7+s11+$0x0] =	vst.idx.msk $0xffff, v5  }
0x138: {  	v6 =	vadd.s32 v58, v1;
	v5 =	vld.idx.msk [tilespmem:v8+s10+$0x0], $0xffff  }
0x139: {  	v4 =	vmul.f32 $1.442695020e+00, v4;
	v7 =	vadd.s32 v59, v1  }
0x13a: {  	v9 =	vadd.f32 $-8.571428290e+00, v3;
	v8 =	vadd.s32 $0x19, v2  }
0x13b: {  	(erf) = vpow2.f32 v4  }
0x13c: {  	v4 =	vmul.f32 v9, v9  }
0x13d: {  	[tilespmem:v6+s11+$0x0] =	vst.idx.msk $0xffff, v5;
	v5 =	vpop (erf)  }
0x13e: {  	v4 =	vmul.f32 $-4.961249830e+00, v4;
	[tilespmem:v7+s11+$0x0] =	vst.idx.msk $0xffff, v5  }
0x13f: {  	v6 =	vadd.s32 v60, v1;
	v5 =	vld.idx.msk [tilespmem:v8+s10+$0x0], $0xffff  }
0x140: {  	v4 =	vmul.f32 $1.442695020e+00, v4;
	v7 =	vadd.s32 v61, v1  }
0x141: {  	v9 =	vadd.f32 $-8.888889310e+00, v3;
	v8 =	vadd.s32 $0x1A, v2  }
0x142: {  	(erf) = vpow2.f32 v4  }
0x143: {  	v4 =	vmul.f32 v9, v9  }
0x144: {  	[tilespmem:v6+s11+$0x0] =	vst.idx.msk $0xffff, v5;
	v5 =	vpop (erf)  }
0x145: {  	v4 =	vmul.f32 $-4.961249830e+00, v4;
	[tilespmem:v7+s11+$0x0] =	vst.idx.msk $0xffff, v5  }
0x146: {  	v6 =	vadd.s32 v62, v1;
	v5 =	vld.idx.msk [tilespmem:v8+s10+$0x0], $0xffff  }
0x147: {  	v4 =	vmul.f32 $1.442695020e+00, v4;
	v7 =	vadd.s32 v63, v1  }
0x148: {  	v9 =	vadd.f32 $-9.206349370e+00, v3;
	v8 =	vadd.s32 $0x1B, v2  }
0x149: {  	(erf) = vpow2.f32 v4  }
0x14a: {  	v4 =	vmul.f32 v9, v9  }
0x14b: {  	[tilespmem:v6+s11+$0x0] =	vst.idx.msk $0xffff, v5;
	v5 =	vpop (erf)  }
0x14c: {  	v4 =	vmul.f32 $-4.961249830e+00, v4;
	[tilespmem:v7+s11+$0x0] =	vst.idx.msk $0xffff, v5  }
0x14d: {  	v6 =	vadd.s32 v12, v1;
	v5 =	vld.idx.msk [tilespmem:v8+s10+$0x0], $0xffff  }
0x14e: {  	v4 =	vmul.f32 $1.442695020e+00, v4;
	v7 =	vadd.s32 v13, v1  }
0x14f: {  	v9 =	vadd.f32 $-9.523809430e+00, v3;
	v8 =	vadd.s32 $0x1C, v2  }
0x150: {  	(erf) = vpow2.f32 v4  }
0x151: {  	v4 =	vmul.f32 v9, v9  }
0x152: {  	[tilespmem:v6+s11+$0x0] =	vst.idx.msk $0xffff, v5;
	v5 =	vpop (erf)  }
0x153: {  	v4 =	vmul.f32 $-4.961249830e+00, v4;
	[tilespmem:v7+s11+$0x0] =	vst.idx.msk $0xffff, v5  }
0x154: {  	v6 =	vadd.s32 v14, v1;
	v5 =	vld.idx.msk [tilespmem:v8+s10+$0x0], $0xffff  }
0x155: {  	v4 =	vmul.f32 $1.442695020e+00, v4;
	v7 =	vadd.s32 v15, v1  }
0x156: {  	v9 =	vadd.f32 $-9.841269490e+00, v3;
	v8 =	vadd.s32 $0x1D, v2  }
0x157: {  	(erf) = vpow2.f32 v4  }
0x158: {  	v4 =	vmul.f32 v9, v9  }
0x159: {  	[tilespmem:v6+s11+$0x0] =	vst.idx.msk $0xffff, v5;
	v5 =	vpop (erf)  }
0x15a: {  	v4 =	vmul.f32 $-4.961249830e+00, v4;
	[tilespmem:v7+s11+$0x0] =	vst.idx.msk $0xffff, v5  }
0x15b: {  	v6 =	vadd.s32 v16, v1;
	v5 =	vld.idx.msk [tilespmem:v8+s10+$0x0], $0xffff  }
0x15c: {  	v4 =	vmul.f32 $1.442695020e+00, v4;
	v7 =	vadd.s32 v17, v1  }
0x15d: {  	v9 =	vadd.f32 $-1.015873050e+01, v3;
	v8 =	vadd.s32 $0x1E, v2  }
0x15e: {  	(erf) = vpow2.f32 v4  }
0x15f: {  	v4 =	vmul.f32 v9, v9  }
0x160: {  	[tilespmem:v6+s11+$0x0] =	vst.idx.msk $0xffff, v5;
	v5 =	vpop (erf)  }
0x161: {  	v4 =	vmul.f32 $-4.961249830e+00, v4;
	[tilespmem:v7+s11+$0x0] =	vst.idx.msk $0xffff, v5  }
0x162: {  	v6 =	vadd.s32 v18, v1;
	v5 =	vld.idx.msk [tilespmem:v8+s10+$0x0], $0xffff  }
0x163: {  	v4 =	vmul.f32 $1.442695020e+00, v4;
	v7 =	vadd.s32 v19, v1  }
0x164: {  	v9 =	vadd.f32 $-1.047619060e+01, v3;
	v8 =	vadd.s32 $0x1F, v2  }
0x165: {  	(erf) = vpow2.f32 v4  }
0x166: {  	v4 =	vmul.f32 v9, v9  }
0x167: {  	[tilespmem:v6+s11+$0x0] =	vst.idx.msk $0xffff, v5;
	v5 =	vpop (erf)  }
0x168: {  	v4 =	vmul.f32 $-4.961249830e+00, v4;
	[tilespmem:v7+s11+$0x0] =	vst.idx.msk $0xffff, v5  }
0x169: {  	v6 =	vadd.s32 v20, v1;
	v7 =	vadd.s32 $0x20, v0;
	v5 =	vld.idx.msk [tilespmem:v8+s10+$0x0], $0xffff  }
0x16a: {  	v4 =	vmul.f32 $1.442695020e+00, v4;
	v7 =	vadd.s32 v7, v1  }
0x16b: {  	v9 =	vadd.f32 $-1.079365060e+01, v3;
	v8 =	vadd.s32 $0x20, v2  }
0x16c: {  	(erf) = vpow2.f32 v4  }
0x16d: {  	v4 =	vmul.f32 v9, v9  }
0x16e: {  	[tilespmem:v6+s11+$0x0] =	vst.idx.msk $0xffff, v5;
	v5 =	vpop (erf)  }
0x16f: {  	v4 =	vmul.f32 $-4.961249830e+00, v4;
	[tilespmem:v7+s11+$0x0] =	vst.idx.msk $0xffff, v5;
	v5 =	vadd.s32 $0x60, v0  }
0x170: {  	v7 =	vadd.s32 $0x21, v0;
	v6 =	vld.idx.msk [tilespmem:v8+s10+$0x0], $0xffff;
	v5 =	vadd.s32 v5, v1  }
0x171: {  	v4 =	vmul.f32 $1.442695020e+00, v4;
	v7 =	vadd.s32 v7, v1  }
0x172: {  	v9 =	vadd.f32 $-1.111111070e+01, v3;
	v8 =	vadd.s32 $0x21, v2  }
0x173: {  	(erf) = vpow2.f32 v4  }
0x174: {  	v4 =	vmul.f32 v9, v9  }
0x175: {  	[tilespmem:v5+s11+$0x0] =	vst.idx.msk $0xffff, v6;
	v5 =	vpop (erf)  }
0x176: {  	v4 =	vmul.f32 $-4.961249830e+00, v4;
	[tilespmem:v7+s11+$0x0] =	vst.idx.msk $0xffff, v5;
	v5 =	vadd.s32 $0x61, v0  }
0x177: {  	v7 =	vadd.s32 $0x22, v0;
	v6 =	vld.idx.msk [tilespmem:v8+s10+$0x0], $0xffff;
	v5 =	vadd.s32 v5, v1  }
0x178: {  	v4 =	vmul.f32 $1.442695020e+00, v4;
	v7 =	vadd.s32 v7, v1  }
0x179: {  	v9 =	vadd.f32 $-1.142857170e+01, v3;
	v8 =	vadd.s32 $0x22, v2  }
0x17a: {  	(erf) = vpow2.f32 v4  }
0x17b: {  	v4 =	vmul.f32 v9, v9  }
0x17c: {  	[tilespmem:v5+s11+$0x0] =	vst.idx.msk $0xffff, v6;
	v5 =	vpop (erf)  }
0x17d: {  	v4 =	vmul.f32 $-4.961249830e+00, v4;
	[tilespmem:v7+s11+$0x0] =	vst.idx.msk $0xffff, v5;
	v5 =	vadd.s32 $0x62, v0  }
0x17e: {  	v7 =	vadd.s32 $0x23, v0;
	v6 =	vld.idx.msk [tilespmem:v8+s10+$0x0], $0xffff;
	v5 =	vadd.s32 v5, v1  }
0x17f: {  	v4 =	vmul.f32 $1.442695020e+00, v4;
	v7 =	vadd.s32 v7, v1  }
0x180: {  	v9 =	vadd.f32 $-1.174603180e+01, v3;
	v8 =	vadd.s32 $0x23, v2  }
0x181: {  	(erf) = vpow2.f32 v4  }
0x182: {  	v4 =	vmul.f32 v9, v9  }
0x183: {  	[tilespmem:v5+s11+$0x0] =	vst.idx.msk $0xffff, v6;
	v5 =	vpop (erf)  }
0x184: {  	v4 =	vmul.f32 $-4.961249830e+00, v4;
	[tilespmem:v7+s11+$0x0] =	vst.idx.msk $0xffff, v5;
	v5 =	vadd.s32 $0x63, v0  }
0x185: {  	v7 =	vadd.s32 $0x24, v0;
	v6 =	vld.idx.msk [tilespmem:v8+s10+$0x0], $0xffff;
	v5 =	vadd.s32 v5, v1  }
0x186: {  	v4 =	vmul.f32 $1.442695020e+00, v4;
	v7 =	vadd.s32 v7, v1  }
0x187: {  	v9 =	vadd.f32 $-1.206349180e+01, v3;
	v8 =	vadd.s32 $0x24, v2  }
0x188: {  	(erf) = vpow2.f32 v4  }
0x189: {  	v4 =	vmul.f32 v9, v9  }
0x18a: {  	[tilespmem:v5+s11+$0x0] =	vst.idx.msk $0xffff, v6;
	v5 =	vpop (erf)  }
0x18b: {  	v4 =	vmul.f32 $-4.961249830e+00, v4;
	[tilespmem:v7+s11+$0x0] =	vst.idx.msk $0xffff, v5;
	v5 =	vadd.s32 $0x64, v0  }
0x18c: {  	v7 =	vadd.s32 $0x25, v0;
	v6 =	vld.idx.msk [tilespmem:v8+s10+$0x0], $0xffff;
	v5 =	vadd.s32 v5, v1  }
0x18d: {  	v4 =	vmul.f32 $1.442695020e+00, v4;
	v7 =	vadd.s32 v7, v1  }
0x18e: {  	v9 =	vadd.f32 $-1.238095280e+01, v3;
	v8 =	vadd.s32 $0x25, v2  }
0x18f: {  	(erf) = vpow2.f32 v4  }
0x190: {  	v4 =	vmul.f32 v9, v9  }
0x191: {  	[tilespmem:v5+s11+$0x0] =	vst.idx.msk $0xffff, v6;
	v5 =	vpop (erf)  }
0x192: {  	v4 =	vmul.f32 $-4.961249830e+00, v4;
	[tilespmem:v7+s11+$0x0] =	vst.idx.msk $0xffff, v5;
	v5 =	vadd.s32 $0x65, v0  }
0x193: {  	v7 =	vadd.s32 $0x26, v0;
	v6 =	vld.idx.msk [tilespmem:v8+s10+$0x0], $0xffff;
	v5 =	vadd.s32 v5, v1  }
0x194: {  	v4 =	vmul.f32 $1.442695020e+00, v4;
	v7 =	vadd.s32 v7, v1  }
0x195: {  	v9 =	vadd.f32 $-1.269841290e+01, v3;
	v8 =	vadd.s32 $0x26, v2  }
0x196: {  	(erf) = vpow2.f32 v4  }
0x197: {  	v4 =	vmul.f32 v9, v9  }
0x198: {  	[tilespmem:v5+s11+$0x0] =	vst.idx.msk $0xffff, v6;
	v5 =	vpop (erf)  }
0x199: {  	v4 =	vmul.f32 $-4.961249830e+00, v4;
	[tilespmem:v7+s11+$0x0] =	vst.idx.msk $0xffff, v5;
	v5 =	vadd.s32 $0x66, v0  }
0x19a: {  	v7 =	vadd.s32 $0x27, v0;
	v6 =	vld.idx.msk [tilespmem:v8+s10+$0x0], $0xffff;
	v5 =	vadd.s32 v5, v1  }
0x19b: {  	v4 =	vmul.f32 $1.442695020e+00, v4;
	v7 =	vadd.s32 v7, v1  }
0x19c: {  	v9 =	vadd.f32 $-1.301587300e+01, v3;
	v8 =	vadd.s32 $0x27, v2  }
0x19d: {  	(erf) = vpow2.f32 v4  }
0x19e: {  	v4 =	vmul.f32 v9, v9  }
0x19f: {  	[tilespmem:v5+s11+$0x0] =	vst.idx.msk $0xffff, v6;
	v5 =	vpop (erf)  }
0x1a0: {  	v4 =	vmul.f32 $-4.961249830e+00, v4;
	[tilespmem:v7+s11+$0x0] =	vst.idx.msk $0xffff, v5;
	v5 =	vadd.s32 $0x67, v0  }
0x1a1: {  	v7 =	vadd.s32 $0x28, v0;
	v6 =	vld.idx.msk [tilespmem:v8+s10+$0x0], $0xffff;
	v5 =	vadd.s32 v5, v1  }
0x1a2: {  	v4 =	vmul.f32 $1.442695020e+00, v4;
	v7 =	vadd.s32 v7, v1  }
0x1a3: {  	v9 =	vadd.f32 $-1.333333300e+01, v3;
	v8 =	vadd.s32 $0x28, v2  }
0x1a4: {  	(erf) = vpow2.f32 v4  }
0x1a5: {  	v4 =	vmul.f32 v9, v9  }
0x1a6: {  	[tilespmem:v5+s11+$0x0] =	vst.idx.msk $0xffff, v6;
	v5 =	vpop (erf)  }
0x1a7: {  	v4 =	vmul.f32 $-4.961249830e+00, v4;
	[tilespmem:v7+s11+$0x0] =	vst.idx.msk $0xffff, v5;
	v5 =	vadd.s32 $0x68, v0  }
0x1a8: {  	v7 =	vadd.s32 $0x29, v0;
	v6 =	vld.idx.msk [tilespmem:v8+s10+$0x0], $0xffff;
	v5 =	vadd.s32 v5, v1  }
0x1a9: {  	v4 =	vmul.f32 $1.442695020e+00, v4;
	v7 =	vadd.s32 v7, v1  }
0x1aa: {  	v9 =	vadd.f32 $-1.365079400e+01, v3;
	v8 =	vadd.s32 $0x29, v2  }
0x1ab: {  	(erf) = vpow2.f32 v4  }
0x1ac: {  	v4 =	vmul.f32 v9, v9  }
0x1ad: {  	[tilespmem:v5+s11+$0x0] =	vst.idx.msk $0xffff, v6;
	v5 =	vpop (erf)  }
0x1ae: {  	v4 =	vmul.f32 $-4.961249830e+00, v4;
	[tilespmem:v7+s11+$0x0] =	vst.idx.msk $0xffff, v5;
	v5 =	vadd.s32 $0x69, v0  }
0x1af: {  	v7 =	vadd.s32 $0x2A, v0;
	v6 =	vld.idx.msk [tilespmem:v8+s10+$0x0], $0xffff;
	v5 =	vadd.s32 v5, v1  }
0x1b0: {  	v4 =	vmul.f32 $1.442695020e+00, v4;
	v7 =	vadd.s32 v7, v1  }
0x1b1: {  	v9 =	vadd.f32 $-1.396825410e+01, v3;
	v8 =	vadd.s32 $0x2A, v2  }
0x1b2: {  	(erf) = vpow2.f32 v4  }
0x1b3: {  	v4 =	vmul.f32 v9, v9  }
0x1b4: {  	[tilespmem:v5+s11+$0x0] =	vst.idx.msk $0xffff, v6;
	v5 =	vpop (erf)  }
0x1b5: {  	v4 =	vmul.f32 $-4.961249830e+00, v4;
	[tilespmem:v7+s11+$0x0] =	vst.idx.msk $0xffff, v5;
	v5 =	vadd.s32 $0x6A, v0  }
0x1b6: {  	v7 =	vadd.s32 $0x2B, v0;
	v6 =	vld.idx.msk [tilespmem:v8+s10+$0x0], $0xffff;
	v5 =	vadd.s32 v5, v1  }
0x1b7: {  	v4 =	vmul.f32 $1.442695020e+00, v4;
	v7 =	vadd.s32 v7, v1  }
0x1b8: {  	v9 =	vadd.f32 $-1.428571410e+01, v3;
	v8 =	vadd.s32 $0x2B, v2  }
0x1b9: {  	(erf) = vpow2.f32 v4  }
0x1ba: {  	v4 =	vmul.f32 v9, v9  }
0x1bb: {  	[tilespmem:v5+s11+$0x0] =	vst.idx.msk $0xffff, v6;
	v5 =	vpop (erf)  }
0x1bc: {  	v4 =	vmul.f32 $-4.961249830e+00, v4;
	[tilespmem:v7+s11+$0x0] =	vst.idx.msk $0xffff, v5;
	v5 =	vadd.s32 $0x6B, v0  }
0x1bd: {  	v7 =	vadd.s32 $0x2C, v0;
	v6 =	vld.idx.msk [tilespmem:v8+s10+$0x0], $0xffff;
	v5 =	vadd.s32 v5, v1  }
0x1be: {  	v4 =	vmul.f32 $1.442695020e+00, v4;
	v7 =	vadd.s32 v7, v1  }
0x1bf: {  	v9 =	vadd.f32 $-1.460317420e+01, v3;
	v8 =	vadd.s32 $0x2C, v2  }
0x1c0: {  	(erf) = vpow2.f32 v4  }
0x1c1: {  	v4 =	vmul.f32 v9, v9  }
0x1c2: {  	[tilespmem:v5+s11+$0x0] =	vst.idx.msk $0xffff, v6;
	v5 =	vpop (erf)  }
0x1c3: {  	v4 =	vmul.f32 $-4.961249830e+00, v4;
	[tilespmem:v7+s11+$0x0] =	vst.idx.msk $0xffff, v5;
	v5 =	vadd.s32 $0x6C, v0  }
0x1c4: {  	v7 =	vadd.s32 $0x2D, v0;
	v6 =	vld.idx.msk [tilespmem:v8+s10+$0x0], $0xffff;
	v5 =	vadd.s32 v5, v1  }
0x1c5: {  	v4 =	vmul.f32 $1.442695020e+00, v4;
	v7 =	vadd.s32 v7, v1  }
0x1c6: {  	v9 =	vadd.f32 $-1.492063520e+01, v3;
	v8 =	vadd.s32 $0x2D, v2  }
0x1c7: {  	(erf) = vpow2.f32 v4  }
0x1c8: {  	v4 =	vmul.f32 v9, v9  }
0x1c9: {  	[tilespmem:v5+s11+$0x0] =	vst.idx.msk $0xffff, v6;
	v5 =	vpop (erf)  }
0x1ca: {  	v4 =	vmul.f32 $-4.961249830e+00, v4;
	[tilespmem:v7+s11+$0x0] =	vst.idx.msk $0xffff, v5;
	v5 =	vadd.s32 $0x6D, v0  }
0x1cb: {  	v7 =	vadd.s32 $0x2E, v0;
	v6 =	vld.idx.msk [tilespmem:v8+s10+$0x0], $0xffff;
	v5 =	vadd.s32 v5, v1  }
0x1cc: {  	v4 =	vmul.f32 $1.442695020e+00, v4;
	v7 =	vadd.s32 v7, v1  }
0x1cd: {  	v9 =	vadd.f32 $-1.523809530e+01, v3;
	v8 =	vadd.s32 $0x2E, v2  }
0x1ce: {  	(erf) = vpow2.f32 v4  }
0x1cf: {  	v4 =	vmul.f32 v9, v9  }
0x1d0: {  	[tilespmem:v5+s11+$0x0] =	vst.idx.msk $0xffff, v6;
	v5 =	vpop (erf)  }
0x1d1: {  	v4 =	vmul.f32 $-4.961249830e+00, v4;
	[tilespmem:v7+s11+$0x0] =	vst.idx.msk $0xffff, v5;
	v5 =	vadd.s32 $0x6E, v0  }
0x1d2: {  	v7 =	vadd.s32 $0x2F, v0;
	v6 =	vld.idx.msk [tilespmem:v8+s10+$0x0], $0xffff;
	v5 =	vadd.s32 v5, v1  }
0x1d3: {  	v4 =	vmul.f32 $1.442695020e+00, v4;
	v7 =	vadd.s32 v7, v1  }
0x1d4: {  	v9 =	vadd.f32 $-1.555555530e+01, v3;
	v8 =	vadd.s32 $0x2F, v2  }
0x1d5: {  	(erf) = vpow2.f32 v4  }
0x1d6: {  	v4 =	vmul.f32 v9, v9  }
0x1d7: {  	[tilespmem:v5+s11+$0x0] =	vst.idx.msk $0xffff, v6;
	v5 =	vpop (erf)  }
0x1d8: {  	v4 =	vmul.f32 $-4.961249830e+00, v4;
	[tilespmem:v7+s11+$0x0] =	vst.idx.msk $0xffff, v5;
	v5 =	vadd.s32 $0x6F, v0  }
0x1d9: {  	v7 =	vadd.s32 $0x30, v0;
	v6 =	vld.idx.msk [tilespmem:v8+s10+$0x0], $0xffff;
	v5 =	vadd.s32 v5, v1  }
0x1da: {  	v4 =	vmul.f32 $1.442695020e+00, v4;
	v7 =	vadd.s32 v7, v1  }
0x1db: {  	v9 =	vadd.f32 $-1.587301540e+01, v3;
	v8 =	vadd.s32 $0x30, v2  }
0x1dc: {  	(erf) = vpow2.f32 v4  }
0x1dd: {  	v4 =	vmul.f32 v9, v9  }
0x1de: {  	[tilespmem:v5+s11+$0x0] =	vst.idx.msk $0xffff, v6;
	v5 =	vpop (erf)  }
0x1df: {  	v4 =	vmul.f32 $-4.961249830e+00, v4;
	[tilespmem:v7+s11+$0x0] =	vst.idx.msk $0xffff, v5;
	v5 =	vadd.s32 $0x70, v0  }
0x1e0: {  	v7 =	vadd.s32 $0x31, v0;
	v6 =	vld.idx.msk [tilespmem:v8+s10+$0x0], $0xffff;
	v5 =	vadd.s32 v5, v1  }
0x1e1: {  	v4 =	vmul.f32 $1.442695020e+00, v4;
	v7 =	vadd.s32 v7, v1  }
0x1e2: {  	v9 =	vadd.f32 $-1.619047550e+01, v3;
	v8 =	vadd.s32 $0x31, v2  }
0x1e3: {  	(erf) = vpow2.f32 v4  }
0x1e4: {  	v4 =	vmul.f32 v9, v9  }
0x1e5: {  	[tilespmem:v5+s11+$0x0] =	vst.idx.msk $0xffff, v6;
	v5 =	vpop (erf)  }
0x1e6: {  	v4 =	vmul.f32 $-4.961249830e+00, v4;
	[tilespmem:v7+s11+$0x0] =	vst.idx.msk $0xffff, v5;
	v5 =	vadd.s32 $0x71, v0  }
0x1e7: {  	v7 =	vadd.s32 $0x32, v0;
	v6 =	vld.idx.msk [tilespmem:v8+s10+$0x0], $0xffff;
	v5 =	vadd.s32 v5, v1  }
0x1e8: {  	v4 =	vmul.f32 $1.442695020e+00, v4;
	v7 =	vadd.s32 v7, v1  }
0x1e9: {  	v9 =	vadd.f32 $-1.650793650e+01, v3;
	v8 =	vadd.s32 $0x32, v2  }
0x1ea: {  	(erf) = vpow2.f32 v4  }
0x1eb: {  	v4 =	vmul.f32 v9, v9  }
0x1ec: {  	[tilespmem:v5+s11+$0x0] =	vst.idx.msk $0xffff, v6;
	v5 =	vpop (erf)  }
0x1ed: {  	v4 =	vmul.f32 $-4.961249830e+00, v4;
	[tilespmem:v7+s11+$0x0] =	vst.idx.msk $0xffff, v5;
	v5 =	vadd.s32 $0x72, v0  }
0x1ee: {  	v7 =	vadd.s32 $0x33, v0;
	v6 =	vld.idx.msk [tilespmem:v8+s10+$0x0], $0xffff;
	v5 =	vadd.s32 v5, v1  }
0x1ef: {  	v4 =	vmul.f32 $1.442695020e+00, v4;
	v7 =	vadd.s32 v7, v1  }
0x1f0: {  	v9 =	vadd.f32 $-1.682539750e+01, v3;
	v8 =	vadd.s32 $0x33, v2  }
0x1f1: {  	(erf) = vpow2.f32 v4  }
0x1f2: {  	v4 =	vmul.f32 v9, v9  }
0x1f3: {  	[tilespmem:v5+s11+$0x0] =	vst.idx.msk $0xffff, v6;
	v5 =	vpop (erf)  }
0x1f4: {  	v4 =	vmul.f32 $-4.961249830e+00, v4;
	[tilespmem:v7+s11+$0x0] =	vst.idx.msk $0xffff, v5;
	v5 =	vadd.s32 $0x73, v0  }
0x1f5: {  	v7 =	vadd.s32 $0x34, v0;
	v6 =	vld.idx.msk [tilespmem:v8+s10+$0x0], $0xffff;
	v5 =	vadd.s32 v5, v1  }
0x1f6: {  	v4 =	vmul.f32 $1.442695020e+00, v4;
	v7 =	vadd.s32 v7, v1  }
0x1f7: {  	v9 =	vadd.f32 $-1.714285660e+01, v3;
	v8 =	vadd.s32 $0x34, v2  }
0x1f8: {  	(erf) = vpow2.f32 v4  }
0x1f9: {  	v4 =	vmul.f32 v9, v9  }
0x1fa: {  	[tilespmem:v5+s11+$0x0] =	vst.idx.msk $0xffff, v6;
	v5 =	vpop (erf)  }
0x1fb: {  	v4 =	vmul.f32 $-4.961249830e+00, v4;
	[tilespmem:v7+s11+$0x0] =	vst.idx.msk $0xffff, v5;
	v5 =	vadd.s32 $0x74, v0  }
0x1fc: {  	v7 =	vadd.s32 $0x35, v0;
	v6 =	vld.idx.msk [tilespmem:v8+s10+$0x0], $0xffff;
	v5 =	vadd.s32 v5, v1  }
0x1fd: {  	v4 =	vmul.f32 $1.442695020e+00, v4;
	v7 =	vadd.s32 v7, v1  }
0x1fe: {  	v9 =	vadd.f32 $-1.746031760e+01, v3;
	v8 =	vadd.s32 $0x35, v2  }
0x1ff: {  	(erf) = vpow2.f32 v4  }
0x200: {  	v4 =	vmul.f32 v9, v9  }
0x201: {  	[tilespmem:v5+s11+$0x0] =	vst.idx.msk $0xffff, v6;
	v5 =	vpop (erf)  }
0x202: {  	v4 =	vmul.f32 $-4.961249830e+00, v4;
	[tilespmem:v7+s11+$0x0] =	vst.idx.msk $0xffff, v5;
	v5 =	vadd.s32 $0x75, v0  }
0x203: {  	v7 =	vadd.s32 $0x36, v0;
	v6 =	vld.idx.msk [tilespmem:v8+s10+$0x0], $0xffff;
	v5 =	vadd.s32 v5, v1  }
0x204: {  	v4 =	vmul.f32 $1.442695020e+00, v4;
	v7 =	vadd.s32 v7, v1  }
0x205: {  	v9 =	vadd.f32 $-1.777777860e+01, v3;
	v8 =	vadd.s32 $0x36, v2  }
0x206: {  	(erf) = vpow2.f32 v4  }
0x207: {  	v4 =	vmul.f32 v9, v9  }
0x208: {  	[tilespmem:v5+s11+$0x0] =	vst.idx.msk $0xffff, v6;
	v5 =	vpop (erf)  }
0x209: {  	v4 =	vmul.f32 $-4.961249830e+00, v4;
	[tilespmem:v7+s11+$0x0] =	vst.idx.msk $0xffff, v5;
	v5 =	vadd.s32 $0x76, v0  }
0x20a: {  	v7 =	vadd.s32 $0x37, v0;
	v6 =	vld.idx.msk [tilespmem:v8+s10+$0x0], $0xffff;
	v5 =	vadd.s32 v5, v1  }
0x20b: {  	v4 =	vmul.f32 $1.442695020e+00, v4;
	v7 =	vadd.s32 v7, v1  }
0x20c: {  	v9 =	vadd.f32 $-1.809523770e+01, v3;
	v8 =	vadd.s32 $0x37, v2  }
0x20d: {  	(erf) = vpow2.f32 v4  }
0x20e: {  	v4 =	vmul.f32 v9, v9  }
0x20f: {  	[tilespmem:v5+s11+$0x0] =	vst.idx.msk $0xffff, v6;
	v5 =	vpop (erf)  }
0x210: {  	v4 =	vmul.f32 $-4.961249830e+00, v4;
	[tilespmem:v7+s11+$0x0] =	vst.idx.msk $0xffff, v5;
	v5 =	vadd.s32 $0x77, v0  }
0x211: {  	v7 =	vadd.s32 $0x38, v0;
	v6 =	vld.idx.msk [tilespmem:v8+s10+$0x0], $0xffff;
	v5 =	vadd.s32 v5, v1  }
0x212: {  	v4 =	vmul.f32 $1.442695020e+00, v4;
	v7 =	vadd.s32 v7, v1  }
0x213: {  	v9 =	vadd.f32 $-1.841269870e+01, v3;
	v8 =	vadd.s32 $0x38, v2  }
0x214: {  	(erf) = vpow2.f32 v4  }
0x215: {  	v4 =	vmul.f32 v9, v9  }
0x216: {  	[tilespmem:v5+s11+$0x0] =	vst.idx.msk $0xffff, v6;
	v5 =	vpop (erf)  }
0x217: {  	v4 =	vmul.f32 $-4.961249830e+00, v4;
	[tilespmem:v7+s11+$0x0] =	vst.idx.msk $0xffff, v5;
	v5 =	vadd.s32 $0x78, v0  }
0x218: {  	v7 =	vadd.s32 $0x39, v0;
	v6 =	vld.idx.msk [tilespmem:v8+s10+$0x0], $0xffff;
	v5 =	vadd.s32 v5, v1  }
0x219: {  	v4 =	vmul.f32 $1.442695020e+00, v4;
	v7 =	vadd.s32 v7, v1  }
0x21a: {  	v9 =	vadd.f32 $-1.873015790e+01, v3;
	v8 =	vadd.s32 $0x39, v2  }
0x21b: {  	(erf) = vpow2.f32 v4  }
0x21c: {  	v4 =	vmul.f32 v9, v9  }
0x21d: {  	[tilespmem:v5+s11+$0x0] =	vst.idx.msk $0xffff, v6;
	v5 =	vpop (erf)  }
0x21e: {  	v4 =	vmul.f32 $-4.961249830e+00, v4;
	[tilespmem:v7+s11+$0x0] =	vst.idx.msk $0xffff, v5;
	v5 =	vadd.s32 $0x79, v0  }
0x21f: {  	v7 =	vadd.s32 $0x3A, v0;
	v6 =	vld.idx.msk [tilespmem:v8+s10+$0x0], $0xffff;
	v5 =	vadd.s32 v5, v1  }
0x220: {  	v4 =	vmul.f32 $1.442695020e+00, v4;
	v7 =	vadd.s32 v7, v1  }
0x221: {  	v9 =	vadd.f32 $-1.904761890e+01, v3;
	v8 =	vadd.s32 $0x3A, v2  }
0x222: {  	(erf) = vpow2.f32 v4  }
0x223: {  	v4 =	vmul.f32 v9, v9  }
0x224: {  	[tilespmem:v5+s11+$0x0] =	vst.idx.msk $0xffff, v6;
	v5 =	vpop (erf)  }
0x225: {  	v4 =	vmul.f32 $-4.961249830e+00, v4;
	[tilespmem:v7+s11+$0x0] =	vst.idx.msk $0xffff, v5;
	v5 =	vadd.s32 $0x7A, v0  }
0x226: {  	v7 =	vadd.s32 $0x3B, v0;
	v6 =	vld.idx.msk [tilespmem:v8+s10+$0x0], $0xffff;
	v5 =	vadd.s32 v5, v1  }
0x227: {  	v4 =	vmul.f32 $1.442695020e+00, v4;
	v7 =	vadd.s32 v7, v1  }
0x228: {  	v9 =	vadd.f32 $-1.936507990e+01, v3;
	v8 =	vadd.s32 $0x3B, v2  }
0x229: {  	(erf) = vpow2.f32 v4  }
0x22a: {  	v4 =	vmul.f32 v9, v9  }
0x22b: {  	[tilespmem:v5+s11+$0x0] =	vst.idx.msk $0xffff, v6;
	v5 =	vpop (erf)  }
0x22c: {  	v4 =	vmul.f32 $-4.961249830e+00, v4;
	[tilespmem:v7+s11+$0x0] =	vst.idx.msk $0xffff, v5;
	v5 =	vadd.s32 $0x7B, v0  }
0x22d: {  	v7 =	vadd.s32 $0x3C, v0;
	v6 =	vld.idx.msk [tilespmem:v8+s10+$0x0], $0xffff;
	v5 =	vadd.s32 v5, v1  }
0x22e: {  	v4 =	vmul.f32 $1.442695020e+00, v4;
	v7 =	vadd.s32 v7, v1  }
0x22f: {  	v9 =	vadd.f32 $-1.968253900e+01, v3;
	v8 =	vadd.s32 $0x3C, v2  }
0x230: {  	(erf) = vpow2.f32 v4  }
0x231: {  	v4 =	vmul.f32 v9, v9  }
0x232: {  	[tilespmem:v5+s11+$0x0] =	vst.idx.msk $0xffff, v6;
	v5 =	vpop (erf)  }
0x233: {  	v4 =	vmul.f32 $-4.961249830e+00, v4;
	[tilespmem:v7+s11+$0x0] =	vst.idx.msk $0xffff, v5;
	v5 =	vadd.s32 $0x7C, v0  }
0x234: {  	v7 =	vadd.s32 $0x3D, v0;
	v6 =	vld.idx.msk [tilespmem:v8+s10+$0x0], $0xffff;
	v5 =	vadd.s32 v5, v1  }
0x235: {  	v4 =	vmul.f32 $1.442695020e+00, v4;
	v7 =	vadd.s32 v7, v1  }
0x236: {  	v3 =	vadd.f32 $-2.000000000e+01, v3;
	v8 =	vadd.s32 $0x3D, v2  }
0x237: {  	(erf) = vpow2.f32 v4  }
0x238: {  	v3 =	vmul.f32 v3, v3  }
0x239: {  	v4 =	vpop (erf);
	[tilespmem:v5+s11+$0x0] =	vst.idx.msk $0xffff, v6  }
0x23a: {  	v3 =	vmul.f32 $-4.961249830e+00, v3;
	[tilespmem:v7+s11+$0x0] =	vst.idx.msk $0xffff, v4;
	v4 =	vadd.s32 $0x7D, v0  }
0x23b: {  	v6 =	vadd.s32 $0x3E, v0;
	v5 =	vld.idx.msk [tilespmem:v8+s10+$0x0], $0xffff;
	v4 =	vadd.s32 v4, v1  }
0x23c: {  	v3 =	vmul.f32 $1.442695020e+00, v3;
	v6 =	vadd.s32 v6, v1  }
0x23d: {  	v7 =	vadd.s32 $0x3E, v2  }
0x23e: {  	(erf) = vpow2.f32 v3;
	_ =	sdelay $0x1  }
0x23f: {  	v3 =	vpop (erf);
	[tilespmem:v4+s11+$0x0] =	vst.idx.msk $0xffff, v5  }
0x240: {  	[tilespmem:v6+s11+$0x0] =	vst.idx.msk $0xffff, v3;
	v3 =	vadd.s32 $0x7E, v0  }
0x241: {  	v5 =	vadd.s32 $0x3F, v0;
	v4 =	vld.idx.msk [tilespmem:v7+s10+$0x0], $0xffff;
	v3 =	vadd.s32 v3, v1  }
0x242: {  	v5 =	vadd.s32 v5, v1  }
0x243: {  	v2 =	vadd.s32 $0x3F, v2;
	_ =	sdelay $0x2  }
0x244: {  	[tilespmem:v3+s11+$0x0] =	vst.idx.msk $0xffff, v4;
	v3 =	vpop (erf)  }
0x245: {  	[tilespmem:v5+s11+$0x0] =	vst.idx.msk $0xffff, v3;
	v3 =	vadd.s32 $0x7F, v0  }
0x246: {  	p0 =	sne.s32 s17, $0x180;
	v1 =	vadd.s32 v3, v1;
	v2 =	vld.idx.msk [tilespmem:v2+s10+$0x0], $0xffff  }
.Ltmp0:
0x247: {  	_ = 	snop;
	(pc) =	sbr.rel @p0 .LBB2_3-.Ltmp0, $2  }
0x248: {  	_ =	sdelay $0x2  }
0x249: {  	s19 =	sadd.s32 $0x10, s19;
	s18 =	sadd.s32 $0x10, s18;
	s17 =	sadd.s32 $0x10, s17;
	[tilespmem:v1+s11+$0x0] =	vst.idx.msk $0xffff, v2  }
0x24a: {  	s16 =	sadd.s32 s4, s16  }
0x24b: {  	s16 =	sshll.u32 s16, $0x4  }
0x24c: {  	s17 =	simm.s32 $0x6788;
	s16 =	sadd.s32 s3, s16  }
0x24d: {  	s18 =	simm.s32 $0x10;
	s19 =	simm.s32 $0x6810;
	s20 =	sadd.s32 $0x0, s16  }
.LBB2_5:
0x24e: {  	[hbm4b:s20+s5] =	stream.linear.scatter [tilespmem:s17], [sflag:$0x1], $0x80, $0x38;
	[tilespmem:$0x13C08] =	vst v63  }
0x24f: {  	s20 =	smov.u32 s18;
	s17 =	smov.u32 s19;
	p0 =	sne.s32 s18, $0x18F0  }
.Ltmp1:
0x250: {  	s18 =	sadd.s32 $0x10, s18;
	(pc) =	sbr.rel @p0 .LBB2_5-.Ltmp1, $2  }
0x251: {  	_ =	sdelay $0x2  }
0x252: {  	s19 =	sadd.s32 $0x88, s19;
	s20 =	sadd.s32 s20, s16  }
0x253: {  	s15 =	sadd.s32 $0x1, s15  }
0x254: {  	p0 =	sne.s32 s15, $0x19  }
.Ltmp2:
0x255: {  	_ = 	snop;
	(pc) =	sbr.rel @p0 .LBB2_2-.Ltmp2, $4  }
0x256: {  	[hbm4b:s20+s5] =	stream.linear.scatter [tilespmem:s17], [sflag:$0x1], $0x80, $0x38;
	[tilespmem:$0x13C08] =	vst v63  }
0x257: {  	_ =	swait.ge [sflag:s9], $0xC800  }
0x258: {  	[sflag:s9] =	ssyncset.done $0x0  }
0x259: {  	s14 =	sadd.s32 $0x190, s14;
	s13 =	sadd.s32 $0x190, s13;
	[sflag:s9] =	ssyncadd.s32 $0xFFFF3800  }
0x25a: {  	s12 =	sadd.s32 $0x1, s12  }
0x25b: {  	p0 =	sne.s32 s12, s8  }
.Ltmp3:
0x25c: {  	_ = 	snop;
	(pc) =	sbr.rel @p0 .LBB2_1-.Ltmp3, $1  }
0x25d: {  	_ =	sdelay $0x3  }
0x25e: {  	_ =	sfence.sel $0x180000  }
0x25f: {  	[bflag:$0x0] =	sbarrier.arrive $0xFFFF  }
0x260: {  	p0 =	sne.s32 s0, $0x0;
	_ =	strace $0x90000047  }
0x261: {  	s0 =	sadd.s32 @!p0 $0x100000, s2;
	[bflag:$0x2] =	sbarrier.arrive $0xFFFF  }
0x262: {  	[sflag:s0] =	ssyncadd.tile.s32 @!p0 $0x1;
	_ =	shalt  }
.Lfunc_end2:
_tile_overlayer_lowered:
.L_overlay_start_2:
0x263: {  	(tag) =	ssettag $0x2  }
0x264: {  	s0 =	rddreg [dreg:$0x0];
	s2 =	stileid.u32  }
0x265: {  	s1 =	rddreg [dreg:$0x1];
	p0 =	sne.s32 s2, $0x0  }
0x266: {  	s3 =	rddreg [dreg:$0x2];
	[bflag:$0x3] =	sbarrier.arrive $0xFFFF;
	s2 =	simm.s32 @!p0 $0x1C01  }
0x267: {  	[timem:s3], [sflag:s2] =	dma.local @!p0 [hbm:s0], s1  }
0x268: {  	s0 =	simm.s32 @!p0 $0x1  }
0x269: {  	_ =	swait.ge @!p0 [sflag:s0], s1  }
0x26a: {  	s1 =	ssub.s32 @!p0 $0x0, s1;
	[sflag:s0] =	ssyncset.done @!p0 $0x0  }
0x26b: {  	[sflag:s0] =	ssyncadd.s32 @!p0 s1  }
0x26c: {  	[bflag:$0x3] =	sbarrier.arrive $0xFFFF  }
0x26d: {  	_ =	shalt  }

</sc_bundles>
